<compile_context>
chip_gen: v7x
topology: tpu7x:2x2x1
jax: 0.10.2.dev20260603
libtpu: 0.0.44.dev20260713+nightly
codegen_flags: <defaults>
</compile_context>

<pallas_src>
import functools

import jax
import jax.numpy as jnp
from jax import lax
from jax.experimental import pallas as pl
from jax.experimental.pallas import tpu as pltpu
from jax.experimental.pallas import tpu_sc as plsc

VOCAB = 5000
D = 128
P = 2
B, L = 1024, 50
BL = B * L
K = 2 * P

NC, NS = 2, 16
NT = NC * NS
PER_TILE = BL // NT
CW = 320
NCH = PER_TILE // CW
NWC = 320
NNW = PER_TILE // NWC
EPT = K * PER_TILE


def _sc_env_body(emb_hbm, nwt_hbm, nidx_hbm,
                 e_out, n_out,
                 nidx_v, rows_a, rows_b,
                 nsc0, nsc1, nsc2, nsc3, nsc4,
                 nsem, gsem_a, gsem_b, ssem_a, ssem_b):
    wid = lax.axis_index("s") * NC + lax.axis_index("c")
    base = wid * PER_TILE
    nsc = (nsc0, nsc1, nsc2, nsc3, nsc4)

    pltpu.sync_copy(nidx_hbm.at[pl.ds(base, PER_TILE)], nidx_v)

    n_cps = [pltpu.async_copy(
        nwt_hbm.at[nidx_v.at[pl.ds(j * NWC, NWC)]], nsc[j], nsem)
        for j in range(NNW)]

    bufs = (rows_a, rows_b)
    gsems = (gsem_a, gsem_b)
    ssems = (ssem_a, ssem_b)

    def fire(j, buf):
        return pltpu.async_copy(
            emb_hbm.at[nidx_v.at[pl.ds(j * CW, CW)]], bufs[buf], gsems[buf])

    scat = [None, None]
    gath = fire(0, 0)
    for j in range(NCH):
        gath.wait()
        nxt = None
        if j + 1 < NCH:
            if scat[(j + 1) % 2] is not None:
                scat[(j + 1) % 2].wait()
                scat[(j + 1) % 2] = None
            nxt = fire(j + 1, (j + 1) % 2)
        scat[j % 2] = pltpu.async_copy(
            bufs[j % 2], e_out.at[pl.ds(base + j * CW, CW)], ssems[j % 2])
        gath = nxt
    for s in scat:
        if s is not None:
            s.wait()

    for c in n_cps:
        c.wait()
    for j in range(NNW):
        pltpu.sync_copy(nsc[j], n_out.at[pl.ds(base + j * NWC, NWC)])


def _sc_edge_body(ewt_hbm, eidx_hbm, w_out,
                  eidx_v, wsc0, wsc1, wsc2, wsc3, esem):
    wid = lax.axis_index("s") * NC + lax.axis_index("c")
    ebase = wid * EPT
    wsc = (wsc0, wsc1, wsc2, wsc3)

    pltpu.sync_copy(eidx_hbm.at[pl.ds(ebase, EPT)], eidx_v)
    e_cps = [pltpu.async_copy(
        ewt_hbm.at[eidx_v.at[pl.ds(k * PER_TILE, PER_TILE)]], wsc[k], esem)
        for k in range(K)]
    for c in e_cps:
        c.wait()
    for k in range(K):
        pltpu.sync_copy(wsc[k], w_out.at[pl.ds(ebase + k * PER_TILE,
                                               PER_TILE)])


def _sc_mesh():
    return plsc.VectorSubcoreMesh(core_axis_name="c", subcore_axis_name="s",
                                  num_cores=NC, num_subcores=NS)


@functools.cache
def _sc_env():
    return pl.kernel(
        _sc_env_body,
        mesh=_sc_mesh(),
        out_type=(
            jax.ShapeDtypeStruct((BL, D), jnp.float32),
            jax.ShapeDtypeStruct((BL,), jnp.float32),
        ),
        scratch_types=(
            [pltpu.VMEM((PER_TILE,), jnp.int32)] +
            [pltpu.VMEM((CW, D), jnp.float32)] * 2 +
            [pltpu.VMEM((NWC,), jnp.float32)] * NNW +
            [pltpu.SemaphoreType.DMA] * 5
        ),
        compiler_params=pltpu.CompilerParams(use_tc_tiling_on_sc=False),
    )


@functools.cache
def _sc_edge():
    return pl.kernel(
        _sc_edge_body,
        mesh=_sc_mesh(),
        out_type=jax.ShapeDtypeStruct((K * BL,), jnp.float32),
        scratch_types=(
            [pltpu.VMEM((EPT,), jnp.int32)] +
            [pltpu.VMEM((PER_TILE,), jnp.float32)] * K +
            [pltpu.SemaphoreType.DMA]
        ),
        compiler_params=pltpu.CompilerParams(use_tc_tiling_on_sc=False),
    )


BB = 128
T = BB * L


def _tc_body(e_ref, w_ref, nw_ref, o_ref):
    E = e_ref[...]
    w = w_ref[...]
    nw = nw_ref[...]
    z1 = jnp.zeros((BB, 1, D), jnp.float32)
    z2 = jnp.zeros((BB, 2, D), jnp.float32)
    ra0 = jnp.concatenate([z2, E[:, : L - 2]], axis=1)
    ra1 = jnp.concatenate([z1, E[:, : L - 1]], axis=1)
    ra2 = jnp.concatenate([E[:, 1:], z1], axis=1)
    ra3 = jnp.concatenate([E[:, 2:], z2], axis=1)
    m = jnp.maximum(
        jnp.maximum(ra0 * w[0][:, :, None], ra1 * w[1][:, :, None]),
        jnp.maximum(ra2 * w[2][:, :, None], ra3 * w[3][:, :, None]),
    )
    nwl = nw[:, :, None]
    o_ref[...] = ((1.0 - nwl) * m + nwl * E).sum(axis=1)


def kernel(input_ids, node_embedding, edge_weight, node_weight):
    ids = input_ids.astype(jnp.int32)
    xp = jnp.pad(ids, ((0, 0), (P, P)))
    nx = jnp.stack([xp[:, P + off: P + off + L]
                    for off in (-2, -1, 1, 2)], axis=0)
    ew_ids = ids[None] * VOCAB + nx
    ew_ids = jnp.where(nx == 0, 0, ew_ids)

    nidx = ids.reshape(BL)
    eidx = ew_ids.reshape(K * BL)
    emb = node_embedding.astype(jnp.float32)
    nwt = node_weight.astype(jnp.float32).reshape(VOCAB)

    e_out, n_out = _sc_env()(emb, nwt, nidx)

    EWN = 25001984
    ewt = jnp.pad(edge_weight.astype(jnp.float32),
                  ((0, EWN - VOCAB * VOCAB - 1), (0, 0))).reshape(EWN)
    w_out = _sc_edge()(ewt, eidx)
    E3 = e_out.reshape(B, L, D)
    w4 = w_out.reshape(K, B, L)
    nw = n_out.reshape(B, L)

    return pl.pallas_call(
        _tc_body,
        grid=(B // BB,),
        in_specs=[
            pl.BlockSpec((BB, L, D), lambda i: (i, 0, 0)),
            pl.BlockSpec((K, BB, L), lambda i: (0, i, 0)),
            pl.BlockSpec((BB, L), lambda i: (i, 0)),
        ],
        out_specs=pl.BlockSpec((BB, D), lambda i: (i, 0)),
        out_shape=jax.ShapeDtypeStruct((B, D), jnp.float32),
    )(E3, w4, nw)

# --- scband reference (transcript-rebuilt; emitter-appended) ---
"""Pipeline reference for scband-gnn-base-77670188581209 (READ-ONLY COPY).

The authoritative reference and input builder live on the scoring server;
editing this copy changes nothing except your own understanding.
"""

import jax, jax.numpy as jnp
import numpy as np

VOCAB = 5000
D = 128
P = 2
B, L = 1024, 50


def get_neighbors(x_ids, nb_neighbor, vocab_size):
    # x_ids: (B, L) int
    Bx, Lx = x_ids.shape
    xp = jnp.pad(x_ids, ((0, 0), (nb_neighbor, nb_neighbor)))
    offsets = jnp.concatenate([jnp.arange(-nb_neighbor, 0), jnp.arange(1, nb_neighbor + 1)])  # (2p,)
    gather_idx = jnp.arange(Lx)[:, None] + nb_neighbor + offsets[None, :]  # (L, 2p)
    NX = xp[:, gather_idx]  # (B, L, 2p)
    EW = x_ids[:, :, None] * vocab_size + NX  # (B, L, 2p)
    EW = jnp.where(NX == 0, 0, EW)
    return NX, EW


def setup_inputs(seed: int = 0) -> dict:
    key = jax.random.key(seed)
    k1, k2, k3, k4 = jax.random.split(key, 4)
    input_ids = jax.random.randint(k1, (B, L), 0, VOCAB)
    node_embedding = jax.random.normal(k2, (VOCAB, D), dtype=jnp.float32) * 0.02
    node_embedding = node_embedding.at[0].set(0.0)  # padding_idx=0
    edge_weight = jax.random.normal(k3, (VOCAB * VOCAB + 1, 1), dtype=jnp.float32) * 0.01
    edge_weight = edge_weight.at[0].set(0.0)  # padding_idx=0
    node_weight = jax.random.normal(k4, (VOCAB, 1), dtype=jnp.float32) * 0.01
    node_weight = node_weight.at[0].set(0.0)  # padding_idx=0
    return {
        "input_ids": input_ids,
        "node_embedding": node_embedding,
        "edge_weight": edge_weight,
        "node_weight": node_weight,
    }


def reference(input_ids, node_embedding, edge_weight, node_weight):
    X = input_ids
    NX, EW = get_neighbors(X, P, VOCAB)
    Ra = node_embedding[NX]            # (B, L, 2p, D) gather
    Ean = edge_weight[EW]              # (B, L, 2p, 1) gather from vocab^2 table
    Mn = jnp.max(Ra * Ean, axis=2)     # (B, L, D)
    Rn = node_embedding[X]             # (B, L, D)
    Nn = node_weight[X]                # (B, L, 1)
    y = (1.0 - Nn) * Mn + Nn * Rn      # (B, L, D)
    return y.sum(axis=1)               # (B, D)

if __name__ == "__main__":
    import jax
    _d = setup_inputs()
    print(jax.jit(kernel)(*tuple(_d.values())))

</pallas_src>

<mosaic_0001>
#map = affine_map<(d0, d1) -> (0, 0)>
#map1 = affine_map<(d0, d1) -> (0)>
module attributes {stable_mosaic.version = 14 : i64} {
  func.func @_sc_env_body(%arg0: i32, %arg1: i32, %arg2: memref<5000x128xf32, #tpu.memory_space<hbm>>, %arg3: memref<5000xf32, #tpu.memory_space<hbm>>, %arg4: memref<51200xi32, #tpu.memory_space<hbm>>, %arg5: memref<51200x128xf32, #tpu.memory_space<hbm>>, %arg6: memref<51200xf32, #tpu.memory_space<hbm>>, %arg7: memref<1600xi32, #tpu.memory_space<vmem>>, %arg8: memref<320x128xf32, #tpu.memory_space<vmem>>, %arg9: memref<320x128xf32, #tpu.memory_space<vmem>>, %arg10: memref<320xf32, #tpu.memory_space<vmem>>, %arg11: memref<320xf32, #tpu.memory_space<vmem>>, %arg12: memref<320xf32, #tpu.memory_space<vmem>>, %arg13: memref<320xf32, #tpu.memory_space<vmem>>, %arg14: memref<320xf32, #tpu.memory_space<vmem>>, %arg15: memref<!tpu.dma_semaphore, #tpu.memory_space<semaphore_mem>>, %arg16: memref<!tpu.dma_semaphore, #tpu.memory_space<semaphore_mem>>, %arg17: memref<!tpu.dma_semaphore, #tpu.memory_space<semaphore_mem>>, %arg18: memref<!tpu.dma_semaphore, #tpu.memory_space<semaphore_mem>>, %arg19: memref<!tpu.dma_semaphore, #tpu.memory_space<semaphore_mem>>) attributes {dimension_semantics = [#tpu.dimension_semantics<core_parallel>, #tpu.dimension_semantics<subcore_parallel>], iteration_bounds = array<i64: 2, 16>, scalar_prefetch = 0 : i64, scratch_operands = 13 : i64, tpu.core_type = #tpu.core_type<sc_vector_subcore>, window_params = [{transform_indices = #map}, {transform_indices = #map1}, {transform_indices = #map1}, {transform_indices = #map}, {transform_indices = #map1}]} {
    %mul3A = arith.constant 2 : i32
    %mul3A_0 = arith.muli %arg1, %mul3A : i32
    %add3A = arith.addi %mul3A_0, %arg0 : i32
    %mul3A_1 = arith.constant 1600 : i32
    %mul3A_2 = arith.muli %add3A, %mul3A_1 : i32
    "tpu.region"() ({
      %run_scoped3A = tpu.sem_alloc : memref<!tpu.dma_semaphore, #tpu.memory_space<semaphore_mem>>
      %dma_start3A_151 = tpu.memref_slice %arg4[%mul3A_2] : memref<51200xi32, #tpu.memory_space<hbm>> -> memref<1600xi32, #tpu.memory_space<hbm>>
      %dma_start3A_152 = tpu.memref_slice %arg4[%mul3A_2] : memref<51200xi32, #tpu.memory_space<hbm>> -> memref<1600xi32, #tpu.memory_space<hbm>>
      tpu.enqueue_dma source(%dma_start3A_152 : memref<1600xi32, #tpu.memory_space<hbm>>) target(%arg7 : memref<1600xi32, #tpu.memory_space<vmem>>) target_semaphore(%run_scoped3A : memref<!tpu.dma_semaphore, #tpu.memory_space<semaphore_mem>>)
      %dma_wait3A_153 = tpu.memref_slice %arg4[%mul3A_2] : memref<51200xi32, #tpu.memory_space<hbm>> -> memref<1600xi32, #tpu.memory_space<hbm>>
      %dma_wait3A_154 = tpu.memref_slice %arg4[%mul3A_2] : memref<51200xi32, #tpu.memory_space<hbm>> -> memref<1600xi32, #tpu.memory_space<hbm>>
      tpu.wait_dma2 semaphore(%run_scoped3A : memref<!tpu.dma_semaphore, #tpu.memory_space<semaphore_mem>>) src(%dma_wait3A_154 : memref<1600xi32, #tpu.memory_space<hbm>>) dst(%arg7 : memref<1600xi32, #tpu.memory_space<vmem>>)
      tpu.yield
    }) : () -> ()
    %dma_start3A = arith.constant 0 : i32
    %dma_start3A_3 = tpu.memref_slice %arg7[%dma_start3A] : memref<1600xi32, #tpu.memory_space<vmem>> -> memref<320xi32, #tpu.memory_space<vmem>>
    %dma_start3A_4 = arith.constant 0 : i32
    %dma_start3A_5 = tpu.memref_slice %arg3[%dma_start3A_4] : memref<5000xf32, #tpu.memory_space<hbm>> -> memref<5000xf32, #tpu.memory_space<hbm>>
    tpu.enqueue_indirect_dma source(%dma_start3A_5 : memref<5000xf32, #tpu.memory_space<hbm>>) target(%arg10 : memref<320xf32, #tpu.memory_space<vmem>>) offsets(%dma_start3A_3 : memref<320xi32, #tpu.memory_space<vmem>>) semaphore(%arg15 : memref<!tpu.dma_semaphore, #tpu.memory_space<semaphore_mem>>)
    %dma_start3A_6 = arith.constant 320 : i32
    %dma_start3A_7 = tpu.memref_slice %arg7[%dma_start3A_6] : memref<1600xi32, #tpu.memory_space<vmem>> -> memref<320xi32, #tpu.memory_space<vmem>>
    %dma_start3A_8 = arith.constant 0 : i32
    %dma_start3A_9 = tpu.memref_slice %arg3[%dma_start3A_8] : memref<5000xf32, #tpu.memory_space<hbm>> -> memref<5000xf32, #tpu.memory_space<hbm>>
    tpu.enqueue_indirect_dma source(%dma_start3A_9 : memref<5000xf32, #tpu.memory_space<hbm>>) target(%arg11 : memref<320xf32, #tpu.memory_space<vmem>>) offsets(%dma_start3A_7 : memref<320xi32, #tpu.memory_space<vmem>>) semaphore(%arg15 : memref<!tpu.dma_semaphore, #tpu.memory_space<semaphore_mem>>)
    %dma_start3A_10 = arith.constant 640 : i32
    %dma_start3A_11 = tpu.memref_slice %arg7[%dma_start3A_10] : memref<1600xi32, #tpu.memory_space<vmem>> -> memref<320xi32, #tpu.memory_space<vmem>>
    %dma_start3A_12 = arith.constant 0 : i32
    %dma_start3A_13 = tpu.memref_slice %arg3[%dma_start3A_12] : memref<5000xf32, #tpu.memory_space<hbm>> -> memref<5000xf32, #tpu.memory_space<hbm>>
    tpu.enqueue_indirect_dma source(%dma_start3A_13 : memref<5000xf32, #tpu.memory_space<hbm>>) target(%arg12 : memref<320xf32, #tpu.memory_space<vmem>>) offsets(%dma_start3A_11 : memref<320xi32, #tpu.memory_space<vmem>>) semaphore(%arg15 : memref<!tpu.dma_semaphore, #tpu.memory_space<semaphore_mem>>)
    %dma_start3A_14 = arith.constant 960 : i32
    %dma_start3A_15 = tpu.memref_slice %arg7[%dma_start3A_14] : memref<1600xi32, #tpu.memory_space<vmem>> -> memref<320xi32, #tpu.memory_space<vmem>>
    %dma_start3A_16 = arith.constant 0 : i32
    %dma_start3A_17 = tpu.memref_slice %arg3[%dma_start3A_16] : memref<5000xf32, #tpu.memory_space<hbm>> -> memref<5000xf32, #tpu.memory_space<hbm>>
    tpu.enqueue_indirect_dma source(%dma_start3A_17 : memref<5000xf32, #tpu.memory_space<hbm>>) target(%arg13 : memref<320xf32, #tpu.memory_space<vmem>>) offsets(%dma_start3A_15 : memref<320xi32, #tpu.memory_space<vmem>>) semaphore(%arg15 : memref<!tpu.dma_semaphore, #tpu.memory_space<semaphore_mem>>)
    %dma_start3A_18 = arith.constant 1280 : i32
    %dma_start3A_19 = tpu.memref_slice %arg7[%dma_start3A_18] : memref<1600xi32, #tpu.memory_space<vmem>> -> memref<320xi32, #tpu.memory_space<vmem>>
    %dma_start3A_20 = arith.constant 0 : i32
    %dma_start3A_21 = tpu.memref_slice %arg3[%dma_start3A_20] : memref<5000xf32, #tpu.memory_space<hbm>> -> memref<5000xf32, #tpu.memory_space<hbm>>
    tpu.enqueue_indirect_dma source(%dma_start3A_21 : memref<5000xf32, #tpu.memory_space<hbm>>) target(%arg14 : memref<320xf32, #tpu.memory_space<vmem>>) offsets(%dma_start3A_19 : memref<320xi32, #tpu.memory_space<vmem>>) semaphore(%arg15 : memref<!tpu.dma_semaphore, #tpu.memory_space<semaphore_mem>>)
    %dma_start3A_22 = arith.constant 0 : i32
    %dma_start3A_23 = tpu.memref_slice %arg7[%dma_start3A_22] : memref<1600xi32, #tpu.memory_space<vmem>> -> memref<320xi32, #tpu.memory_space<vmem>>
    %dma_start3A_24 = arith.constant 0 : i32
    %dma_start3A_25 = arith.constant 0 : i32
    %dma_start3A_26 = tpu.memref_slice %arg2[%dma_start3A_24, %dma_start3A_25] : memref<5000x128xf32, #tpu.memory_space<hbm>> -> memref<5000x128xf32, #tpu.memory_space<hbm>>
    tpu.enqueue_indirect_dma source(%dma_start3A_26 : memref<5000x128xf32, #tpu.memory_space<hbm>>) target(%arg8 : memref<320x128xf32, #tpu.memory_space<vmem>>) offsets(%dma_start3A_23 : memref<320xi32, #tpu.memory_space<vmem>>) semaphore(%arg16 : memref<!tpu.dma_semaphore, #tpu.memory_space<semaphore_mem>>)
    %dma_wait3A = arith.constant 0 : i32
    %dma_wait3A_27 = tpu.memref_slice %arg7[%dma_wait3A] : memref<1600xi32, #tpu.memory_space<vmem>> -> memref<320xi32, #tpu.memory_space<vmem>>
    %dma_wait3A_28 = arith.constant 0 : i32
    %dma_wait3A_29 = arith.constant 0 : i32
    %dma_wait3A_30 = tpu.memref_slice %arg2[%dma_wait3A_28, %dma_wait3A_29] : memref<5000x128xf32, #tpu.memory_space<hbm>> -> memref<5000x128xf32, #tpu.memory_space<hbm>>
    tpu.wait_indirect_dma semaphore(%arg16 : memref<!tpu.dma_semaphore, #tpu.memory_space<semaphore_mem>>) src(%dma_wait3A_30 : memref<5000x128xf32, #tpu.memory_space<hbm>>) dst(%arg8 : memref<320x128xf32, #tpu.memory_space<vmem>>)
    %dma_start3A_31 = arith.constant 320 : i32
    %dma_start3A_32 = tpu.memref_slice %arg7[%dma_start3A_31] : memref<1600xi32, #tpu.memory_space<vmem>> -> memref<320xi32, #tpu.memory_space<vmem>>
    %dma_start3A_33 = arith.constant 0 : i32
    %dma_start3A_34 = arith.constant 0 : i32
    %dma_start3A_35 = tpu.memref_slice %arg2[%dma_start3A_33, %dma_start3A_34] : memref<5000x128xf32, #tpu.memory_space<hbm>> -> memref<5000x128xf32, #tpu.memory_space<hbm>>
    tpu.enqueue_indirect_dma source(%dma_start3A_35 : memref<5000x128xf32, #tpu.memory_space<hbm>>) target(%arg9 : memref<320x128xf32, #tpu.memory_space<vmem>>) offsets(%dma_start3A_32 : memref<320xi32, #tpu.memory_space<vmem>>) semaphore(%arg17 : memref<!tpu.dma_semaphore, #tpu.memory_space<semaphore_mem>>)
    %add3A_36 = arith.constant 0 : i32
    %add3A_37 = arith.addi %mul3A_2, %add3A_36 : i32
    %dma_start3A_38 = arith.constant 0 : i32
    %dma_start3A_39 = tpu.memref_slice %arg5[%add3A_37, %dma_start3A_38] : memref<51200x128xf32, #tpu.memory_space<hbm>> -> memref<320x128xf32, #tpu.memory_space<hbm>>
    %dma_start3A_40 = arith.constant 0 : i32
    %dma_start3A_41 = tpu.memref_slice %arg5[%add3A_37, %dma_start3A_40] : memref<51200x128xf32, #tpu.memory_space<hbm>> -> memref<320x128xf32, #tpu.memory_space<hbm>>
    tpu.enqueue_dma source(%arg8 : memref<320x128xf32, #tpu.memory_space<vmem>>) target(%dma_start3A_41 : memref<320x128xf32, #tpu.memory_space<hbm>>) target_semaphore(%arg18 : memref<!tpu.dma_semaphore, #tpu.memory_space<semaphore_mem>>)
    %dma_wait3A_42 = arith.constant 320 : i32
    %dma_wait3A_43 = tpu.memref_slice %arg7[%dma_wait3A_42] : memref<1600xi32, #tpu.memory_space<vmem>> -> memref<320xi32, #tpu.memory_space<vmem>>
    %dma_wait3A_44 = arith.constant 0 : i32
    %dma_wait3A_45 = arith.constant 0 : i32
    %dma_wait3A_46 = tpu.memref_slice %arg2[%dma_wait3A_44, %dma_wait3A_45] : memref<5000x128xf32, #tpu.memory_space<hbm>> -> memref<5000x128xf32, #tpu.memory_space<hbm>>
    tpu.wait_indirect_dma semaphore(%arg17 : memref<!tpu.dma_semaphore, #tpu.memory_space<semaphore_mem>>) src(%dma_wait3A_46 : memref<5000x128xf32, #tpu.memory_space<hbm>>) dst(%arg9 : memref<320x128xf32, #tpu.memory_space<vmem>>)
    %dma_wait3A_47 = arith.constant 0 : i32
    %dma_wait3A_48 = tpu.memref_slice %arg5[%add3A_37, %dma_wait3A_47] : memref<51200x128xf32, #tpu.memory_space<hbm>> -> memref<320x128xf32, #tpu.memory_space<hbm>>
    %dma_wait3A_49 = arith.constant 0 : i32
    %dma_wait3A_50 = tpu.memref_slice %arg5[%add3A_37, %dma_wait3A_49] : memref<51200x128xf32, #tpu.memory_space<hbm>> -> memref<320x128xf32, #tpu.memory_space<hbm>>
    tpu.wait_dma2 semaphore(%arg18 : memref<!tpu.dma_semaphore, #tpu.memory_space<semaphore_mem>>) src(%arg8 : memref<320x128xf32, #tpu.memory_space<vmem>>) dst(%dma_wait3A_50 : memref<320x128xf32, #tpu.memory_space<hbm>>)
    %dma_start3A_51 = arith.constant 640 : i32
    %dma_start3A_52 = tpu.memref_slice %arg7[%dma_start3A_51] : memref<1600xi32, #tpu.memory_space<vmem>> -> memref<320xi32, #tpu.memory_space<vmem>>
    %dma_start3A_53 = arith.constant 0 : i32
    %dma_start3A_54 = arith.constant 0 : i32
    %dma_start3A_55 = tpu.memref_slice %arg2[%dma_start3A_53, %dma_start3A_54] : memref<5000x128xf32, #tpu.memory_space<hbm>> -> memref<5000x128xf32, #tpu.memory_space<hbm>>
    tpu.enqueue_indirect_dma source(%dma_start3A_55 : memref<5000x128xf32, #tpu.memory_space<hbm>>) target(%arg8 : memref<320x128xf32, #tpu.memory_space<vmem>>) offsets(%dma_start3A_52 : memref<320xi32, #tpu.memory_space<vmem>>) semaphore(%arg16 : memref<!tpu.dma_semaphore, #tpu.memory_space<semaphore_mem>>)
    %add3A_56 = arith.constant 320 : i32
    %add3A_57 = arith.addi %mul3A_2, %add3A_56 : i32
    %dma_start3A_58 = arith.constant 0 : i32
    %dma_start3A_59 = tpu.memref_slice %arg5[%add3A_57, %dma_start3A_58] : memref<51200x128xf32, #tpu.memory_space<hbm>> -> memref<320x128xf32, #tpu.memory_space<hbm>>
    %dma_start3A_60 = arith.constant 0 : i32
    %dma_start3A_61 = tpu.memref_slice %arg5[%add3A_57, %dma_start3A_60] : memref<51200x128xf32, #tpu.memory_space<hbm>> -> memref<320x128xf32, #tpu.memory_space<hbm>>
    tpu.enqueue_dma source(%arg9 : memref<320x128xf32, #tpu.memory_space<vmem>>) target(%dma_start3A_61 : memref<320x128xf32, #tpu.memory_space<hbm>>) target_semaphore(%arg19 : memref<!tpu.dma_semaphore, #tpu.memory_space<semaphore_mem>>)
    %dma_wait3A_62 = arith.constant 640 : i32
    %dma_wait3A_63 = tpu.memref_slice %arg7[%dma_wait3A_62] : memref<1600xi32, #tpu.memory_space<vmem>> -> memref<320xi32, #tpu.memory_space<vmem>>
    %dma_wait3A_64 = arith.constant 0 : i32
    %dma_wait3A_65 = arith.constant 0 : i32
    %dma_wait3A_66 = tpu.memref_slice %arg2[%dma_wait3A_64, %dma_wait3A_65] : memref<5000x128xf32, #tpu.memory_space<hbm>> -> memref<5000x128xf32, #tpu.memory_space<hbm>>
    tpu.wait_indirect_dma semaphore(%arg16 : memref<!tpu.dma_semaphore, #tpu.memory_space<semaphore_mem>>) src(%dma_wait3A_66 : memref<5000x128xf32, #tpu.memory_space<hbm>>) dst(%arg8 : memref<320x128xf32, #tpu.memory_space<vmem>>)
    %dma_wait3A_67 = arith.constant 0 : i32
    %dma_wait3A_68 = tpu.memref_slice %arg5[%add3A_57, %dma_wait3A_67] : memref<51200x128xf32, #tpu.memory_space<hbm>> -> memref<320x128xf32, #tpu.memory_space<hbm>>
    %dma_wait3A_69 = arith.constant 0 : i32
    %dma_wait3A_70 = tpu.memref_slice %arg5[%add3A_57, %dma_wait3A_69] : memref<51200x128xf32, #tpu.memory_space<hbm>> -> memref<320x128xf32, #tpu.memory_space<hbm>>
    tpu.wait_dma2 semaphore(%arg19 : memref<!tpu.dma_semaphore, #tpu.memory_space<semaphore_mem>>) src(%arg9 : memref<320x128xf32, #tpu.memory_space<vmem>>) dst(%dma_wait3A_70 : memref<320x128xf32, #tpu.memory_space<hbm>>)
    %dma_start3A_71 = arith.constant 960 : i32
    %dma_start3A_72 = tpu.memref_slice %arg7[%dma_start3A_71] : memref<1600xi32, #tpu.memory_space<vmem>> -> memref<320xi32, #tpu.memory_space<vmem>>
    %dma_start3A_73 = arith.constant 0 : i32
    %dma_start3A_74 = arith.constant 0 : i32
    %dma_start3A_75 = tpu.memref_slice %arg2[%dma_start3A_73, %dma_start3A_74] : memref<5000x128xf32, #tpu.memory_space<hbm>> -> memref<5000x128xf32, #tpu.memory_space<hbm>>
    tpu.enqueue_indirect_dma source(%dma_start3A_75 : memref<5000x128xf32, #tpu.memory_space<hbm>>) target(%arg9 : memref<320x128xf32, #tpu.memory_space<vmem>>) offsets(%dma_start3A_72 : memref<320xi32, #tpu.memory_space<vmem>>) semaphore(%arg17 : memref<!tpu.dma_semaphore, #tpu.memory_space<semaphore_mem>>)
    %add3A_76 = arith.constant 640 : i32
    %add3A_77 = arith.addi %mul3A_2, %add3A_76 : i32
    %dma_start3A_78 = arith.constant 0 : i32
    %dma_start3A_79 = tpu.memref_slice %arg5[%add3A_77, %dma_start3A_78] : memref<51200x128xf32, #tpu.memory_space<hbm>> -> memref<320x128xf32, #tpu.memory_space<hbm>>
    %dma_start3A_80 = arith.constant 0 : i32
    %dma_start3A_81 = tpu.memref_slice %arg5[%add3A_77, %dma_start3A_80] : memref<51200x128xf32, #tpu.memory_space<hbm>> -> memref<320x128xf32, #tpu.memory_space<hbm>>
    tpu.enqueue_dma source(%arg8 : memref<320x128xf32, #tpu.memory_space<vmem>>) target(%dma_start3A_81 : memref<320x128xf32, #tpu.memory_space<hbm>>) target_semaphore(%arg18 : memref<!tpu.dma_semaphore, #tpu.memory_space<semaphore_mem>>)
    %dma_wait3A_82 = arith.constant 960 : i32
    %dma_wait3A_83 = tpu.memref_slice %arg7[%dma_wait3A_82] : memref<1600xi32, #tpu.memory_space<vmem>> -> memref<320xi32, #tpu.memory_space<vmem>>
    %dma_wait3A_84 = arith.constant 0 : i32
    %dma_wait3A_85 = arith.constant 0 : i32
    %dma_wait3A_86 = tpu.memref_slice %arg2[%dma_wait3A_84, %dma_wait3A_85] : memref<5000x128xf32, #tpu.memory_space<hbm>> -> memref<5000x128xf32, #tpu.memory_space<hbm>>
    tpu.wait_indirect_dma semaphore(%arg17 : memref<!tpu.dma_semaphore, #tpu.memory_space<semaphore_mem>>) src(%dma_wait3A_86 : memref<5000x128xf32, #tpu.memory_space<hbm>>) dst(%arg9 : memref<320x128xf32, #tpu.memory_space<vmem>>)
    %dma_wait3A_87 = arith.constant 0 : i32
    %dma_wait3A_88 = tpu.memref_slice %arg5[%add3A_77, %dma_wait3A_87] : memref<51200x128xf32, #tpu.memory_space<hbm>> -> memref<320x128xf32, #tpu.memory_space<hbm>>
    %dma_wait3A_89 = arith.constant 0 : i32
    %dma_wait3A_90 = tpu.memref_slice %arg5[%add3A_77, %dma_wait3A_89] : memref<51200x128xf32, #tpu.memory_space<hbm>> -> memref<320x128xf32, #tpu.memory_space<hbm>>
    tpu.wait_dma2 semaphore(%arg18 : memref<!tpu.dma_semaphore, #tpu.memory_space<semaphore_mem>>) src(%arg8 : memref<320x128xf32, #tpu.memory_space<vmem>>) dst(%dma_wait3A_90 : memref<320x128xf32, #tpu.memory_space<hbm>>)
    %dma_start3A_91 = arith.constant 1280 : i32
    %dma_start3A_92 = tpu.memref_slice %arg7[%dma_start3A_91] : memref<1600xi32, #tpu.memory_space<vmem>> -> memref<320xi32, #tpu.memory_space<vmem>>
    %dma_start3A_93 = arith.constant 0 : i32
    %dma_start3A_94 = arith.constant 0 : i32
    %dma_start3A_95 = tpu.memref_slice %arg2[%dma_start3A_93, %dma_start3A_94] : memref<5000x128xf32, #tpu.memory_space<hbm>> -> memref<5000x128xf32, #tpu.memory_space<hbm>>
    tpu.enqueue_indirect_dma source(%dma_start3A_95 : memref<5000x128xf32, #tpu.memory_space<hbm>>) target(%arg8 : memref<320x128xf32, #tpu.memory_space<vmem>>) offsets(%dma_start3A_92 : memref<320xi32, #tpu.memory_space<vmem>>) semaphore(%arg16 : memref<!tpu.dma_semaphore, #tpu.memory_space<semaphore_mem>>)
    %add3A_96 = arith.constant 960 : i32
    %add3A_97 = arith.addi %mul3A_2, %add3A_96 : i32
    %dma_start3A_98 = arith.constant 0 : i32
    %dma_start3A_99 = tpu.memref_slice %arg5[%add3A_97, %dma_start3A_98] : memref<51200x128xf32, #tpu.memory_space<hbm>> -> memref<320x128xf32, #tpu.memory_space<hbm>>
    %dma_start3A_100 = arith.constant 0 : i32
    %dma_start3A_101 = tpu.memref_slice %arg5[%add3A_97, %dma_start3A_100] : memref<51200x128xf32, #tpu.memory_space<hbm>> -> memref<320x128xf32, #tpu.memory_space<hbm>>
    tpu.enqueue_dma source(%arg9 : memref<320x128xf32, #tpu.memory_space<vmem>>) target(%dma_start3A_101 : memref<320x128xf32, #tpu.memory_space<hbm>>) target_semaphore(%arg19 : memref<!tpu.dma_semaphore, #tpu.memory_space<semaphore_mem>>)
    %dma_wait3A_102 = arith.constant 1280 : i32
    %dma_wait3A_103 = tpu.memref_slice %arg7[%dma_wait3A_102] : memref<1600xi32, #tpu.memory_space<vmem>> -> memref<320xi32, #tpu.memory_space<vmem>>
    %dma_wait3A_104 = arith.constant 0 : i32
    %dma_wait3A_105 = arith.constant 0 : i32
    %dma_wait3A_106 = tpu.memref_slice %arg2[%dma_wait3A_104, %dma_wait3A_105] : memref<5000x128xf32, #tpu.memory_space<hbm>> -> memref<5000x128xf32, #tpu.memory_space<hbm>>
    tpu.wait_indirect_dma semaphore(%arg16 : memref<!tpu.dma_semaphore, #tpu.memory_space<semaphore_mem>>) src(%dma_wait3A_106 : memref<5000x128xf32, #tpu.memory_space<hbm>>) dst(%arg8 : memref<320x128xf32, #tpu.memory_space<vmem>>)
    %add3A_107 = arith.constant 1280 : i32
    %add3A_108 = arith.addi %mul3A_2, %add3A_107 : i32
    %dma_start3A_109 = arith.constant 0 : i32
    %dma_start3A_110 = tpu.memref_slice %arg5[%add3A_108, %dma_start3A_109] : memref<51200x128xf32, #tpu.memory_space<hbm>> -> memref<320x128xf32, #tpu.memory_space<hbm>>
    %dma_start3A_111 = arith.constant 0 : i32
    %dma_start3A_112 = tpu.memref_slice %arg5[%add3A_108, %dma_start3A_111] : memref<51200x128xf32, #tpu.memory_space<hbm>> -> memref<320x128xf32, #tpu.memory_space<hbm>>
    tpu.enqueue_dma source(%arg8 : memref<320x128xf32, #tpu.memory_space<vmem>>) target(%dma_start3A_112 : memref<320x128xf32, #tpu.memory_space<hbm>>) target_semaphore(%arg18 : memref<!tpu.dma_semaphore, #tpu.memory_space<semaphore_mem>>)
    %dma_wait3A_113 = arith.constant 0 : i32
    %dma_wait3A_114 = tpu.memref_slice %arg5[%add3A_108, %dma_wait3A_113] : memref<51200x128xf32, #tpu.memory_space<hbm>> -> memref<320x128xf32, #tpu.memory_space<hbm>>
    %dma_wait3A_115 = arith.constant 0 : i32
    %dma_wait3A_116 = tpu.memref_slice %arg5[%add3A_108, %dma_wait3A_115] : memref<51200x128xf32, #tpu.memory_space<hbm>> -> memref<320x128xf32, #tpu.memory_space<hbm>>
    tpu.wait_dma2 semaphore(%arg18 : memref<!tpu.dma_semaphore, #tpu.memory_space<semaphore_mem>>) src(%arg8 : memref<320x128xf32, #tpu.memory_space<vmem>>) dst(%dma_wait3A_116 : memref<320x128xf32, #tpu.memory_space<hbm>>)
    %dma_wait3A_117 = arith.constant 0 : i32
    %dma_wait3A_118 = tpu.memref_slice %arg5[%add3A_97, %dma_wait3A_117] : memref<51200x128xf32, #tpu.memory_space<hbm>> -> memref<320x128xf32, #tpu.memory_space<hbm>>
    %dma_wait3A_119 = arith.constant 0 : i32
    %dma_wait3A_120 = tpu.memref_slice %arg5[%add3A_97, %dma_wait3A_119] : memref<51200x128xf32, #tpu.memory_space<hbm>> -> memref<320x128xf32, #tpu.memory_space<hbm>>
    tpu.wait_dma2 semaphore(%arg19 : memref<!tpu.dma_semaphore, #tpu.memory_space<semaphore_mem>>) src(%arg9 : memref<320x128xf32, #tpu.memory_space<vmem>>) dst(%dma_wait3A_120 : memref<320x128xf32, #tpu.memory_space<hbm>>)
    %dma_wait3A_121 = arith.constant 0 : i32
    %dma_wait3A_122 = tpu.memref_slice %arg7[%dma_wait3A_121] : memref<1600xi32, #tpu.memory_space<vmem>> -> memref<320xi32, #tpu.memory_space<vmem>>
    %dma_wait3A_123 = arith.constant 0 : i32
    %dma_wait3A_124 = tpu.memref_slice %arg3[%dma_wait3A_123] : memref<5000xf32, #tpu.memory_space<hbm>> -> memref<5000xf32, #tpu.memory_space<hbm>>
    tpu.wait_indirect_dma semaphore(%arg15 : memref<!tpu.dma_semaphore, #tpu.memory_space<semaphore_mem>>) src(%dma_wait3A_124 : memref<5000xf32, #tpu.memory_space<hbm>>) dst(%arg10 : memref<320xf32, #tpu.memory_space<vmem>>)
    %dma_wait3A_125 = arith.constant 320 : i32
    %dma_wait3A_126 = tpu.memref_slice %arg7[%dma_wait3A_125] : memref<1600xi32, #tpu.memory_space<vmem>> -> memref<320xi32, #tpu.memory_space<vmem>>
    %dma_wait3A_127 = arith.constant 0 : i32
    %dma_wait3A_128 = tpu.memref_slice %arg3[%dma_wait3A_127] : memref<5000xf32, #tpu.memory_space<hbm>> -> memref<5000xf32, #tpu.memory_space<hbm>>
    tpu.wait_indirect_dma semaphore(%arg15 : memref<!tpu.dma_semaphore, #tpu.memory_space<semaphore_mem>>) src(%dma_wait3A_128 : memref<5000xf32, #tpu.memory_space<hbm>>) dst(%arg11 : memref<320xf32, #tpu.memory_space<vmem>>)
    %dma_wait3A_129 = arith.constant 640 : i32
    %dma_wait3A_130 = tpu.memref_slice %arg7[%dma_wait3A_129] : memref<1600xi32, #tpu.memory_space<vmem>> -> memref<320xi32, #tpu.memory_space<vmem>>
    %dma_wait3A_131 = arith.constant 0 : i32
    %dma_wait3A_132 = tpu.memref_slice %arg3[%dma_wait3A_131] : memref<5000xf32, #tpu.memory_space<hbm>> -> memref<5000xf32, #tpu.memory_space<hbm>>
    tpu.wait_indirect_dma semaphore(%arg15 : memref<!tpu.dma_semaphore, #tpu.memory_space<semaphore_mem>>) src(%dma_wait3A_132 : memref<5000xf32, #tpu.memory_space<hbm>>) dst(%arg12 : memref<320xf32, #tpu.memory_space<vmem>>)
    %dma_wait3A_133 = arith.constant 960 : i32
    %dma_wait3A_134 = tpu.memref_slice %arg7[%dma_wait3A_133] : memref<1600xi32, #tpu.memory_space<vmem>> -> memref<320xi32, #tpu.memory_space<vmem>>
    %dma_wait3A_135 = arith.constant 0 : i32
    %dma_wait3A_136 = tpu.memref_slice %arg3[%dma_wait3A_135] : memref<5000xf32, #tpu.memory_space<hbm>> -> memref<5000xf32, #tpu.memory_space<hbm>>
    tpu.wait_indirect_dma semaphore(%arg15 : memref<!tpu.dma_semaphore, #tpu.memory_space<semaphore_mem>>) src(%dma_wait3A_136 : memref<5000xf32, #tpu.memory_space<hbm>>) dst(%arg13 : memref<320xf32, #tpu.memory_space<vmem>>)
    %dma_wait3A_137 = arith.constant 1280 : i32
    %dma_wait3A_138 = tpu.memref_slice %arg7[%dma_wait3A_137] : memref<1600xi32, #tpu.memory_space<vmem>> -> memref<320xi32, #tpu.memory_space<vmem>>
    %dma_wait3A_139 = arith.constant 0 : i32
    %dma_wait3A_140 = tpu.memref_slice %arg3[%dma_wait3A_139] : memref<5000xf32, #tpu.memory_space<hbm>> -> memref<5000xf32, #tpu.memory_space<hbm>>
    tpu.wait_indirect_dma semaphore(%arg15 : memref<!tpu.dma_semaphore, #tpu.memory_space<semaphore_mem>>) src(%dma_wait3A_140 : memref<5000xf32, #tpu.memory_space<hbm>>) dst(%arg14 : memref<320xf32, #tpu.memory_space<vmem>>)
    %add3A_141 = arith.constant 0 : i32
    %add3A_142 = arith.addi %mul3A_2, %add3A_141 : i32
    "tpu.region"() ({
      %run_scoped3A = tpu.sem_alloc : memref<!tpu.dma_semaphore, #tpu.memory_space<semaphore_mem>>
      %dma_start3A_151 = tpu.memref_slice %arg6[%add3A_142] : memref<51200xf32, #tpu.memory_space<hbm>> -> memref<320xf32, #tpu.memory_space<hbm>>
      %dma_start3A_152 = tpu.memref_slice %arg6[%add3A_142] : memref<51200xf32, #tpu.memory_space<hbm>> -> memref<320xf32, #tpu.memory_space<hbm>>
      tpu.enqueue_dma source(%arg10 : memref<320xf32, #tpu.memory_space<vmem>>) target(%dma_start3A_152 : memref<320xf32, #tpu.memory_space<hbm>>) target_semaphore(%run_scoped3A : memref<!tpu.dma_semaphore, #tpu.memory_space<semaphore_mem>>)
      %dma_wait3A_153 = tpu.memref_slice %arg6[%add3A_142] : memref<51200xf32, #tpu.memory_space<hbm>> -> memref<320xf32, #tpu.memory_space<hbm>>
      %dma_wait3A_154 = tpu.memref_slice %arg6[%add3A_142] : memref<51200xf32, #tpu.memory_space<hbm>> -> memref<320xf32, #tpu.memory_space<hbm>>
      tpu.wait_dma2 semaphore(%run_scoped3A : memref<!tpu.dma_semaphore, #tpu.memory_space<semaphore_mem>>) src(%arg10 : memref<320xf32, #tpu.memory_space<vmem>>) dst(%dma_wait3A_154 : memref<320xf32, #tpu.memory_space<hbm>>)
      tpu.yield
    }) : () -> ()
    %add3A_143 = arith.constant 320 : i32
    %add3A_144 = arith.addi %mul3A_2, %add3A_143 : i32
    "tpu.region"() ({
      %run_scoped3A = tpu.sem_alloc : memref<!tpu.dma_semaphore, #tpu.memory_space<semaphore_mem>>
      %dma_start3A_151 = tpu.memref_slice %arg6[%add3A_144] : memref<51200xf32, #tpu.memory_space<hbm>> -> memref<320xf32, #tpu.memory_space<hbm>>
      %dma_start3A_152 = tpu.memref_slice %arg6[%add3A_144] : memref<51200xf32, #tpu.memory_space<hbm>> -> memref<320xf32, #tpu.memory_space<hbm>>
      tpu.enqueue_dma source(%arg11 : memref<320xf32, #tpu.memory_space<vmem>>) target(%dma_start3A_152 : memref<320xf32, #tpu.memory_space<hbm>>) target_semaphore(%run_scoped3A : memref<!tpu.dma_semaphore, #tpu.memory_space<semaphore_mem>>)
      %dma_wait3A_153 = tpu.memref_slice %arg6[%add3A_144] : memref<51200xf32, #tpu.memory_space<hbm>> -> memref<320xf32, #tpu.memory_space<hbm>>
      %dma_wait3A_154 = tpu.memref_slice %arg6[%add3A_144] : memref<51200xf32, #tpu.memory_space<hbm>> -> memref<320xf32, #tpu.memory_space<hbm>>
      tpu.wait_dma2 semaphore(%run_scoped3A : memref<!tpu.dma_semaphore, #tpu.memory_space<semaphore_mem>>) src(%arg11 : memref<320xf32, #tpu.memory_space<vmem>>) dst(%dma_wait3A_154 : memref<320xf32, #tpu.memory_space<hbm>>)
      tpu.yield
    }) : () -> ()
    %add3A_145 = arith.constant 640 : i32
    %add3A_146 = arith.addi %mul3A_2, %add3A_145 : i32
    "tpu.region"() ({
      %run_scoped3A = tpu.sem_alloc : memref<!tpu.dma_semaphore, #tpu.memory_space<semaphore_mem>>
      %dma_start3A_151 = tpu.memref_slice %arg6[%add3A_146] : memref<51200xf32, #tpu.memory_space<hbm>> -> memref<320xf32, #tpu.memory_space<hbm>>
      %dma_start3A_152 = tpu.memref_slice %arg6[%add3A_146] : memref<51200xf32, #tpu.memory_space<hbm>> -> memref<320xf32, #tpu.memory_space<hbm>>
      tpu.enqueue_dma source(%arg12 : memref<320xf32, #tpu.memory_space<vmem>>) target(%dma_start3A_152 : memref<320xf32, #tpu.memory_space<hbm>>) target_semaphore(%run_scoped3A : memref<!tpu.dma_semaphore, #tpu.memory_space<semaphore_mem>>)
      %dma_wait3A_153 = tpu.memref_slice %arg6[%add3A_146] : memref<51200xf32, #tpu.memory_space<hbm>> -> memref<320xf32, #tpu.memory_space<hbm>>
      %dma_wait3A_154 = tpu.memref_slice %arg6[%add3A_146] : memref<51200xf32, #tpu.memory_space<hbm>> -> memref<320xf32, #tpu.memory_space<hbm>>
      tpu.wait_dma2 semaphore(%run_scoped3A : memref<!tpu.dma_semaphore, #tpu.memory_space<semaphore_mem>>) src(%arg12 : memref<320xf32, #tpu.memory_space<vmem>>) dst(%dma_wait3A_154 : memref<320xf32, #tpu.memory_space<hbm>>)
      tpu.yield
    }) : () -> ()
    %add3A_147 = arith.constant 960 : i32
    %add3A_148 = arith.addi %mul3A_2, %add3A_147 : i32
    "tpu.region"() ({
      %run_scoped3A = tpu.sem_alloc : memref<!tpu.dma_semaphore, #tpu.memory_space<semaphore_mem>>
      %dma_start3A_151 = tpu.memref_slice %arg6[%add3A_148] : memref<51200xf32, #tpu.memory_space<hbm>> -> memref<320xf32, #tpu.memory_space<hbm>>
      %dma_start3A_152 = tpu.memref_slice %arg6[%add3A_148] : memref<51200xf32, #tpu.memory_space<hbm>> -> memref<320xf32, #tpu.memory_space<hbm>>
      tpu.enqueue_dma source(%arg13 : memref<320xf32, #tpu.memory_space<vmem>>) target(%dma_start3A_152 : memref<320xf32, #tpu.memory_space<hbm>>) target_semaphore(%run_scoped3A : memref<!tpu.dma_semaphore, #tpu.memory_space<semaphore_mem>>)
      %dma_wait3A_153 = tpu.memref_slice %arg6[%add3A_148] : memref<51200xf32, #tpu.memory_space<hbm>> -> memref<320xf32, #tpu.memory_space<hbm>>
      %dma_wait3A_154 = tpu.memref_slice %arg6[%add3A_148] : memref<51200xf32, #tpu.memory_space<hbm>> -> memref<320xf32, #tpu.memory_space<hbm>>
      tpu.wait_dma2 semaphore(%run_scoped3A : memref<!tpu.dma_semaphore, #tpu.memory_space<semaphore_mem>>) src(%arg13 : memref<320xf32, #tpu.memory_space<vmem>>) dst(%dma_wait3A_154 : memref<320xf32, #tpu.memory_space<hbm>>)
      tpu.yield
    }) : () -> ()
    %add3A_149 = arith.constant 1280 : i32
    %add3A_150 = arith.addi %mul3A_2, %add3A_149 : i32
    "tpu.region"() ({
      %run_scoped3A = tpu.sem_alloc : memref<!tpu.dma_semaphore, #tpu.memory_space<semaphore_mem>>
      %dma_start3A_151 = tpu.memref_slice %arg6[%add3A_150] : memref<51200xf32, #tpu.memory_space<hbm>> -> memref<320xf32, #tpu.memory_space<hbm>>
      %dma_start3A_152 = tpu.memref_slice %arg6[%add3A_150] : memref<51200xf32, #tpu.memory_space<hbm>> -> memref<320xf32, #tpu.memory_space<hbm>>
      tpu.enqueue_dma source(%arg14 : memref<320xf32, #tpu.memory_space<vmem>>) target(%dma_start3A_152 : memref<320xf32, #tpu.memory_space<hbm>>) target_semaphore(%run_scoped3A : memref<!tpu.dma_semaphore, #tpu.memory_space<semaphore_mem>>)
      %dma_wait3A_153 = tpu.memref_slice %arg6[%add3A_150] : memref<51200xf32, #tpu.memory_space<hbm>> -> memref<320xf32, #tpu.memory_space<hbm>>
      %dma_wait3A_154 = tpu.memref_slice %arg6[%add3A_150] : memref<51200xf32, #tpu.memory_space<hbm>> -> memref<320xf32, #tpu.memory_space<hbm>>
      tpu.wait_dma2 semaphore(%run_scoped3A : memref<!tpu.dma_semaphore, #tpu.memory_space<semaphore_mem>>) src(%arg14 : memref<320xf32, #tpu.memory_space<vmem>>) dst(%dma_wait3A_154 : memref<320xf32, #tpu.memory_space<hbm>>)
      tpu.yield
    }) : () -> ()
    return
  }
}

#map = affine_map<(d0, d1) -> (0)>
module attributes {stable_mosaic.version = 14 : i64} {
  func.func @_sc_edge_body(%arg0: i32, %arg1: i32, %arg2: memref<25001984xf32, #tpu.memory_space<hbm>>, %arg3: memref<204800xi32, #tpu.memory_space<hbm>>, %arg4: memref<204800xf32, #tpu.memory_space<hbm>>, %arg5: memref<6400xi32, #tpu.memory_space<vmem>>, %arg6: memref<1600xf32, #tpu.memory_space<vmem>>, %arg7: memref<1600xf32, #tpu.memory_space<vmem>>, %arg8: memref<1600xf32, #tpu.memory_space<vmem>>, %arg9: memref<1600xf32, #tpu.memory_space<vmem>>, %arg10: memref<!tpu.dma_semaphore, #tpu.memory_space<semaphore_mem>>) attributes {dimension_semantics = [#tpu.dimension_semantics<core_parallel>, #tpu.dimension_semantics<subcore_parallel>], iteration_bounds = array<i64: 2, 16>, scalar_prefetch = 0 : i64, scratch_operands = 6 : i64, tpu.core_type = #tpu.core_type<sc_vector_subcore>, window_params = [{transform_indices = #map}, {transform_indices = #map}, {transform_indices = #map}]} {
    %mul3A = arith.constant 2 : i32
    %mul3A_0 = arith.muli %arg1, %mul3A : i32
    %add3A = arith.addi %mul3A_0, %arg0 : i32
    %mul3A_1 = arith.constant 6400 : i32
    %mul3A_2 = arith.muli %add3A, %mul3A_1 : i32
    "tpu.region"() ({
      %run_scoped3A = tpu.sem_alloc : memref<!tpu.dma_semaphore, #tpu.memory_space<semaphore_mem>>
      %dma_start3A_41 = tpu.memref_slice %arg3[%mul3A_2] : memref<204800xi32, #tpu.memory_space<hbm>> -> memref<6400xi32, #tpu.memory_space<hbm>>
      %dma_start3A_42 = tpu.memref_slice %arg3[%mul3A_2] : memref<204800xi32, #tpu.memory_space<hbm>> -> memref<6400xi32, #tpu.memory_space<hbm>>
      tpu.enqueue_dma source(%dma_start3A_42 : memref<6400xi32, #tpu.memory_space<hbm>>) target(%arg5 : memref<6400xi32, #tpu.memory_space<vmem>>) target_semaphore(%run_scoped3A : memref<!tpu.dma_semaphore, #tpu.memory_space<semaphore_mem>>)
      %dma_wait3A_43 = tpu.memref_slice %arg3[%mul3A_2] : memref<204800xi32, #tpu.memory_space<hbm>> -> memref<6400xi32, #tpu.memory_space<hbm>>
      %dma_wait3A_44 = tpu.memref_slice %arg3[%mul3A_2] : memref<204800xi32, #tpu.memory_space<hbm>> -> memref<6400xi32, #tpu.memory_space<hbm>>
      tpu.wait_dma2 semaphore(%run_scoped3A : memref<!tpu.dma_semaphore, #tpu.memory_space<semaphore_mem>>) src(%dma_wait3A_44 : memref<6400xi32, #tpu.memory_space<hbm>>) dst(%arg5 : memref<6400xi32, #tpu.memory_space<vmem>>)
      tpu.yield
    }) : () -> ()
    %dma_start3A = arith.constant 0 : i32
    %dma_start3A_3 = tpu.memref_slice %arg5[%dma_start3A] : memref<6400xi32, #tpu.memory_space<vmem>> -> memref<1600xi32, #tpu.memory_space<vmem>>
    %dma_start3A_4 = arith.constant 0 : i32
    %dma_start3A_5 = tpu.memref_slice %arg2[%dma_start3A_4] : memref<25001984xf32, #tpu.memory_space<hbm>> -> memref<25001984xf32, #tpu.memory_space<hbm>>
    tpu.enqueue_indirect_dma source(%dma_start3A_5 : memref<25001984xf32, #tpu.memory_space<hbm>>) target(%arg6 : memref<1600xf32, #tpu.memory_space<vmem>>) offsets(%dma_start3A_3 : memref<1600xi32, #tpu.memory_space<vmem>>) semaphore(%arg10 : memref<!tpu.dma_semaphore, #tpu.memory_space<semaphore_mem>>)
    %dma_start3A_6 = arith.constant 1600 : i32
    %dma_start3A_7 = tpu.memref_slice %arg5[%dma_start3A_6] : memref<6400xi32, #tpu.memory_space<vmem>> -> memref<1600xi32, #tpu.memory_space<vmem>>
    %dma_start3A_8 = arith.constant 0 : i32
    %dma_start3A_9 = tpu.memref_slice %arg2[%dma_start3A_8] : memref<25001984xf32, #tpu.memory_space<hbm>> -> memref<25001984xf32, #tpu.memory_space<hbm>>
    tpu.enqueue_indirect_dma source(%dma_start3A_9 : memref<25001984xf32, #tpu.memory_space<hbm>>) target(%arg7 : memref<1600xf32, #tpu.memory_space<vmem>>) offsets(%dma_start3A_7 : memref<1600xi32, #tpu.memory_space<vmem>>) semaphore(%arg10 : memref<!tpu.dma_semaphore, #tpu.memory_space<semaphore_mem>>)
    %dma_start3A_10 = arith.constant 3200 : i32
    %dma_start3A_11 = tpu.memref_slice %arg5[%dma_start3A_10] : memref<6400xi32, #tpu.memory_space<vmem>> -> memref<1600xi32, #tpu.memory_space<vmem>>
    %dma_start3A_12 = arith.constant 0 : i32
    %dma_start3A_13 = tpu.memref_slice %arg2[%dma_start3A_12] : memref<25001984xf32, #tpu.memory_space<hbm>> -> memref<25001984xf32, #tpu.memory_space<hbm>>
    tpu.enqueue_indirect_dma source(%dma_start3A_13 : memref<25001984xf32, #tpu.memory_space<hbm>>) target(%arg8 : memref<1600xf32, #tpu.memory_space<vmem>>) offsets(%dma_start3A_11 : memref<1600xi32, #tpu.memory_space<vmem>>) semaphore(%arg10 : memref<!tpu.dma_semaphore, #tpu.memory_space<semaphore_mem>>)
    %dma_start3A_14 = arith.constant 4800 : i32
    %dma_start3A_15 = tpu.memref_slice %arg5[%dma_start3A_14] : memref<6400xi32, #tpu.memory_space<vmem>> -> memref<1600xi32, #tpu.memory_space<vmem>>
    %dma_start3A_16 = arith.constant 0 : i32
    %dma_start3A_17 = tpu.memref_slice %arg2[%dma_start3A_16] : memref<25001984xf32, #tpu.memory_space<hbm>> -> memref<25001984xf32, #tpu.memory_space<hbm>>
    tpu.enqueue_indirect_dma source(%dma_start3A_17 : memref<25001984xf32, #tpu.memory_space<hbm>>) target(%arg9 : memref<1600xf32, #tpu.memory_space<vmem>>) offsets(%dma_start3A_15 : memref<1600xi32, #tpu.memory_space<vmem>>) semaphore(%arg10 : memref<!tpu.dma_semaphore, #tpu.memory_space<semaphore_mem>>)
    %dma_wait3A = arith.constant 0 : i32
    %dma_wait3A_18 = tpu.memref_slice %arg5[%dma_wait3A] : memref<6400xi32, #tpu.memory_space<vmem>> -> memref<1600xi32, #tpu.memory_space<vmem>>
    %dma_wait3A_19 = arith.constant 0 : i32
    %dma_wait3A_20 = tpu.memref_slice %arg2[%dma_wait3A_19] : memref<25001984xf32, #tpu.memory_space<hbm>> -> memref<25001984xf32, #tpu.memory_space<hbm>>
    tpu.wait_indirect_dma semaphore(%arg10 : memref<!tpu.dma_semaphore, #tpu.memory_space<semaphore_mem>>) src(%dma_wait3A_20 : memref<25001984xf32, #tpu.memory_space<hbm>>) dst(%arg6 : memref<1600xf32, #tpu.memory_space<vmem>>)
    %dma_wait3A_21 = arith.constant 1600 : i32
    %dma_wait3A_22 = tpu.memref_slice %arg5[%dma_wait3A_21] : memref<6400xi32, #tpu.memory_space<vmem>> -> memref<1600xi32, #tpu.memory_space<vmem>>
    %dma_wait3A_23 = arith.constant 0 : i32
    %dma_wait3A_24 = tpu.memref_slice %arg2[%dma_wait3A_23] : memref<25001984xf32, #tpu.memory_space<hbm>> -> memref<25001984xf32, #tpu.memory_space<hbm>>
    tpu.wait_indirect_dma semaphore(%arg10 : memref<!tpu.dma_semaphore, #tpu.memory_space<semaphore_mem>>) src(%dma_wait3A_24 : memref<25001984xf32, #tpu.memory_space<hbm>>) dst(%arg7 : memref<1600xf32, #tpu.memory_space<vmem>>)
    %dma_wait3A_25 = arith.constant 3200 : i32
    %dma_wait3A_26 = tpu.memref_slice %arg5[%dma_wait3A_25] : memref<6400xi32, #tpu.memory_space<vmem>> -> memref<1600xi32, #tpu.memory_space<vmem>>
    %dma_wait3A_27 = arith.constant 0 : i32
    %dma_wait3A_28 = tpu.memref_slice %arg2[%dma_wait3A_27] : memref<25001984xf32, #tpu.memory_space<hbm>> -> memref<25001984xf32, #tpu.memory_space<hbm>>
    tpu.wait_indirect_dma semaphore(%arg10 : memref<!tpu.dma_semaphore, #tpu.memory_space<semaphore_mem>>) src(%dma_wait3A_28 : memref<25001984xf32, #tpu.memory_space<hbm>>) dst(%arg8 : memref<1600xf32, #tpu.memory_space<vmem>>)
    %dma_wait3A_29 = arith.constant 4800 : i32
    %dma_wait3A_30 = tpu.memref_slice %arg5[%dma_wait3A_29] : memref<6400xi32, #tpu.memory_space<vmem>> -> memref<1600xi32, #tpu.memory_space<vmem>>
    %dma_wait3A_31 = arith.constant 0 : i32
    %dma_wait3A_32 = tpu.memref_slice %arg2[%dma_wait3A_31] : memref<25001984xf32, #tpu.memory_space<hbm>> -> memref<25001984xf32, #tpu.memory_space<hbm>>
    tpu.wait_indirect_dma semaphore(%arg10 : memref<!tpu.dma_semaphore, #tpu.memory_space<semaphore_mem>>) src(%dma_wait3A_32 : memref<25001984xf32, #tpu.memory_space<hbm>>) dst(%arg9 : memref<1600xf32, #tpu.memory_space<vmem>>)
    %add3A_33 = arith.constant 0 : i32
    %add3A_34 = arith.addi %mul3A_2, %add3A_33 : i32
    "tpu.region"() ({
      %run_scoped3A = tpu.sem_alloc : memref<!tpu.dma_semaphore, #tpu.memory_space<semaphore_mem>>
      %dma_start3A_41 = tpu.memref_slice %arg4[%add3A_34] : memref<204800xf32, #tpu.memory_space<hbm>> -> memref<1600xf32, #tpu.memory_space<hbm>>
      %dma_start3A_42 = tpu.memref_slice %arg4[%add3A_34] : memref<204800xf32, #tpu.memory_space<hbm>> -> memref<1600xf32, #tpu.memory_space<hbm>>
      tpu.enqueue_dma source(%arg6 : memref<1600xf32, #tpu.memory_space<vmem>>) target(%dma_start3A_42 : memref<1600xf32, #tpu.memory_space<hbm>>) target_semaphore(%run_scoped3A : memref<!tpu.dma_semaphore, #tpu.memory_space<semaphore_mem>>)
      %dma_wait3A_43 = tpu.memref_slice %arg4[%add3A_34] : memref<204800xf32, #tpu.memory_space<hbm>> -> memref<1600xf32, #tpu.memory_space<hbm>>
      %dma_wait3A_44 = tpu.memref_slice %arg4[%add3A_34] : memref<204800xf32, #tpu.memory_space<hbm>> -> memref<1600xf32, #tpu.memory_space<hbm>>
      tpu.wait_dma2 semaphore(%run_scoped3A : memref<!tpu.dma_semaphore, #tpu.memory_space<semaphore_mem>>) src(%arg6 : memref<1600xf32, #tpu.memory_space<vmem>>) dst(%dma_wait3A_44 : memref<1600xf32, #tpu.memory_space<hbm>>)
      tpu.yield
    }) : () -> ()
    %add3A_35 = arith.constant 1600 : i32
    %add3A_36 = arith.addi %mul3A_2, %add3A_35 : i32
    "tpu.region"() ({
      %run_scoped3A = tpu.sem_alloc : memref<!tpu.dma_semaphore, #tpu.memory_space<semaphore_mem>>
      %dma_start3A_41 = tpu.memref_slice %arg4[%add3A_36] : memref<204800xf32, #tpu.memory_space<hbm>> -> memref<1600xf32, #tpu.memory_space<hbm>>
      %dma_start3A_42 = tpu.memref_slice %arg4[%add3A_36] : memref<204800xf32, #tpu.memory_space<hbm>> -> memref<1600xf32, #tpu.memory_space<hbm>>
      tpu.enqueue_dma source(%arg7 : memref<1600xf32, #tpu.memory_space<vmem>>) target(%dma_start3A_42 : memref<1600xf32, #tpu.memory_space<hbm>>) target_semaphore(%run_scoped3A : memref<!tpu.dma_semaphore, #tpu.memory_space<semaphore_mem>>)
      %dma_wait3A_43 = tpu.memref_slice %arg4[%add3A_36] : memref<204800xf32, #tpu.memory_space<hbm>> -> memref<1600xf32, #tpu.memory_space<hbm>>
      %dma_wait3A_44 = tpu.memref_slice %arg4[%add3A_36] : memref<204800xf32, #tpu.memory_space<hbm>> -> memref<1600xf32, #tpu.memory_space<hbm>>
      tpu.wait_dma2 semaphore(%run_scoped3A : memref<!tpu.dma_semaphore, #tpu.memory_space<semaphore_mem>>) src(%arg7 : memref<1600xf32, #tpu.memory_space<vmem>>) dst(%dma_wait3A_44 : memref<1600xf32, #tpu.memory_space<hbm>>)
      tpu.yield
    }) : () -> ()
    %add3A_37 = arith.constant 3200 : i32
    %add3A_38 = arith.addi %mul3A_2, %add3A_37 : i32
    "tpu.region"() ({
      %run_scoped3A = tpu.sem_alloc : memref<!tpu.dma_semaphore, #tpu.memory_space<semaphore_mem>>
      %dma_start3A_41 = tpu.memref_slice %arg4[%add3A_38] : memref<204800xf32, #tpu.memory_space<hbm>> -> memref<1600xf32, #tpu.memory_space<hbm>>
      %dma_start3A_42 = tpu.memref_slice %arg4[%add3A_38] : memref<204800xf32, #tpu.memory_space<hbm>> -> memref<1600xf32, #tpu.memory_space<hbm>>
      tpu.enqueue_dma source(%arg8 : memref<1600xf32, #tpu.memory_space<vmem>>) target(%dma_start3A_42 : memref<1600xf32, #tpu.memory_space<hbm>>) target_semaphore(%run_scoped3A : memref<!tpu.dma_semaphore, #tpu.memory_space<semaphore_mem>>)
      %dma_wait3A_43 = tpu.memref_slice %arg4[%add3A_38] : memref<204800xf32, #tpu.memory_space<hbm>> -> memref<1600xf32, #tpu.memory_space<hbm>>
      %dma_wait3A_44 = tpu.memref_slice %arg4[%add3A_38] : memref<204800xf32, #tpu.memory_space<hbm>> -> memref<1600xf32, #tpu.memory_space<hbm>>
      tpu.wait_dma2 semaphore(%run_scoped3A : memref<!tpu.dma_semaphore, #tpu.memory_space<semaphore_mem>>) src(%arg8 : memref<1600xf32, #tpu.memory_space<vmem>>) dst(%dma_wait3A_44 : memref<1600xf32, #tpu.memory_space<hbm>>)
      tpu.yield
    }) : () -> ()
    %add3A_39 = arith.constant 4800 : i32
    %add3A_40 = arith.addi %mul3A_2, %add3A_39 : i32
    "tpu.region"() ({
      %run_scoped3A = tpu.sem_alloc : memref<!tpu.dma_semaphore, #tpu.memory_space<semaphore_mem>>
      %dma_start3A_41 = tpu.memref_slice %arg4[%add3A_40] : memref<204800xf32, #tpu.memory_space<hbm>> -> memref<1600xf32, #tpu.memory_space<hbm>>
      %dma_start3A_42 = tpu.memref_slice %arg4[%add3A_40] : memref<204800xf32, #tpu.memory_space<hbm>> -> memref<1600xf32, #tpu.memory_space<hbm>>
      tpu.enqueue_dma source(%arg9 : memref<1600xf32, #tpu.memory_space<vmem>>) target(%dma_start3A_42 : memref<1600xf32, #tpu.memory_space<hbm>>) target_semaphore(%run_scoped3A : memref<!tpu.dma_semaphore, #tpu.memory_space<semaphore_mem>>)
      %dma_wait3A_43 = tpu.memref_slice %arg4[%add3A_40] : memref<204800xf32, #tpu.memory_space<hbm>> -> memref<1600xf32, #tpu.memory_space<hbm>>
      %dma_wait3A_44 = tpu.memref_slice %arg4[%add3A_40] : memref<204800xf32, #tpu.memory_space<hbm>> -> memref<1600xf32, #tpu.memory_space<hbm>>
      tpu.wait_dma2 semaphore(%run_scoped3A : memref<!tpu.dma_semaphore, #tpu.memory_space<semaphore_mem>>) src(%arg9 : memref<1600xf32, #tpu.memory_space<vmem>>) dst(%dma_wait3A_44 : memref<1600xf32, #tpu.memory_space<hbm>>)
      tpu.yield
    }) : () -> ()
    return
  }
}

module attributes {stable_mosaic.version = 14 : i64} {
  func.func @_tc_body(%arg0: i32, %arg1: memref<128x50x128xf32, #tpu.memory_space<vmem>>, %arg2: memref<4x128x50xf32, #tpu.memory_space<vmem>>, %arg3: memref<128x50xf32, #tpu.memory_space<vmem>>, %arg4: memref<128x128xf32, #tpu.memory_space<vmem>>) attributes {dimension_semantics = [#tpu.dimension_semantics<arbitrary>], iteration_bounds = array<i64: 8>, scalar_prefetch = 0 : i64, scratch_operands = 0 : i64, tpu.core_type = #tpu.core_type<tc>, window_params = [{transform_indices = @transform_0, window_bounds = array<i64: 128, 50, 128>}, {transform_indices = @transform_1, window_bounds = array<i64: 4, 128, 50>}, {transform_indices = @transform_2, window_bounds = array<i64: 128, 50>}, {transform_indices = @transform_3, window_bounds = array<i64: 128, 128>}]} {
    %get3A = arith.constant 0 : index
    %get3A_0 = arith.constant 0 : index
    %get3A_1 = arith.constant 0 : index
    %get3A_2 = vector.load %arg1[%get3A, %get3A_0, %get3A_1] : memref<128x50x128xf32, #tpu.memory_space<vmem>>, vector<128x50x128xf32>
    %get3A_3 = arith.constant 0 : index
    %get3A_4 = arith.constant 0 : index
    %get3A_5 = arith.constant 0 : index
    %get3A_6 = vector.load %arg2[%get3A_3, %get3A_4, %get3A_5] : memref<4x128x50xf32, #tpu.memory_space<vmem>>, vector<4x128x50xf32>
    %get3A_7 = arith.constant 0 : index
    %get3A_8 = arith.constant 0 : index
    %get3A_9 = vector.load %arg3[%get3A_7, %get3A_8] : memref<128x50xf32, #tpu.memory_space<vmem>>, vector<128x50xf32>
    %broadcast_in_dim3A = arith.constant 0.000000e+00 : f32
    %broadcast_in_dim3A_10 = vector.broadcast %broadcast_in_dim3A : f32 to vector<128x1x128xf32>
    %broadcast_in_dim3A_11 = arith.constant 0.000000e+00 : f32
    %broadcast_in_dim3A_12 = vector.broadcast %broadcast_in_dim3A_11 : f32 to vector<128x2x128xf32>
    %slice3A = vector.extract_strided_slice %get3A_2 {offsets = [0, 0, 0], sizes = [128, 48, 128], strides = [1, 1, 1]} : vector<128x50x128xf32> to vector<128x48x128xf32>
    %concatenate3A = tpu.concatenate %broadcast_in_dim3A_12, %slice3A in 1 : vector<128x2x128xf32>, vector<128x48x128xf32> -> vector<128x50x128xf32>
    %slice3A_13 = vector.extract_strided_slice %get3A_2 {offsets = [0, 0, 0], sizes = [128, 49, 128], strides = [1, 1, 1]} : vector<128x50x128xf32> to vector<128x49x128xf32>
    %concatenate3A_14 = tpu.concatenate %broadcast_in_dim3A_10, %slice3A_13 in 1 : vector<128x1x128xf32>, vector<128x49x128xf32> -> vector<128x50x128xf32>
    %slice3A_15 = vector.extract_strided_slice %get3A_2 {offsets = [0, 1, 0], sizes = [128, 49, 128], strides = [1, 1, 1]} : vector<128x50x128xf32> to vector<128x49x128xf32>
    %concatenate3A_16 = tpu.concatenate %slice3A_15, %broadcast_in_dim3A_10 in 1 : vector<128x49x128xf32>, vector<128x1x128xf32> -> vector<128x50x128xf32>
    %slice3A_17 = vector.extract_strided_slice %get3A_2 {offsets = [0, 2, 0], sizes = [128, 48, 128], strides = [1, 1, 1]} : vector<128x50x128xf32> to vector<128x48x128xf32>
    %concatenate3A_18 = tpu.concatenate %slice3A_17, %broadcast_in_dim3A_12 in 1 : vector<128x48x128xf32>, vector<128x2x128xf32> -> vector<128x50x128xf32>
    %slice3A_19 = vector.extract_strided_slice %get3A_6 {offsets = [0, 0, 0], sizes = [1, 128, 50], strides = [1, 1, 1]} : vector<4x128x50xf32> to vector<1x128x50xf32>
    %squeeze3A = vector.shape_cast %slice3A_19 : vector<1x128x50xf32> to vector<128x50xf32>
    %broadcast_in_dim3A_20 = vector.shape_cast %squeeze3A : vector<128x50xf32> to vector<128x50x1xf32>
    %mul3A = vector.broadcast %broadcast_in_dim3A_20 : vector<128x50x1xf32> to vector<128x50x128xf32>
    %mul3A_21 = arith.mulf %concatenate3A, %mul3A : vector<128x50x128xf32>
    %slice3A_22 = vector.extract_strided_slice %get3A_6 {offsets = [1, 0, 0], sizes = [1, 128, 50], strides = [1, 1, 1]} : vector<4x128x50xf32> to vector<1x128x50xf32>
    %squeeze3A_23 = vector.shape_cast %slice3A_22 : vector<1x128x50xf32> to vector<128x50xf32>
    %broadcast_in_dim3A_24 = vector.shape_cast %squeeze3A_23 : vector<128x50xf32> to vector<128x50x1xf32>
    %mul3A_25 = vector.broadcast %broadcast_in_dim3A_24 : vector<128x50x1xf32> to vector<128x50x128xf32>
    %mul3A_26 = arith.mulf %concatenate3A_14, %mul3A_25 : vector<128x50x128xf32>
    %max3A = arith.maximumf %mul3A_21, %mul3A_26 : vector<128x50x128xf32>
    %slice3A_27 = vector.extract_strided_slice %get3A_6 {offsets = [2, 0, 0], sizes = [1, 128, 50], strides = [1, 1, 1]} : vector<4x128x50xf32> to vector<1x128x50xf32>
    %squeeze3A_28 = vector.shape_cast %slice3A_27 : vector<1x128x50xf32> to vector<128x50xf32>
    %broadcast_in_dim3A_29 = vector.shape_cast %squeeze3A_28 : vector<128x50xf32> to vector<128x50x1xf32>
    %mul3A_30 = vector.broadcast %broadcast_in_dim3A_29 : vector<128x50x1xf32> to vector<128x50x128xf32>
    %mul3A_31 = arith.mulf %concatenate3A_16, %mul3A_30 : vector<128x50x128xf32>
    %slice3A_32 = vector.extract_strided_slice %get3A_6 {offsets = [3, 0, 0], sizes = [1, 128, 50], strides = [1, 1, 1]} : vector<4x128x50xf32> to vector<1x128x50xf32>
    %squeeze3A_33 = vector.shape_cast %slice3A_32 : vector<1x128x50xf32> to vector<128x50xf32>
    %broadcast_in_dim3A_34 = vector.shape_cast %squeeze3A_33 : vector<128x50xf32> to vector<128x50x1xf32>
    %mul3A_35 = vector.broadcast %broadcast_in_dim3A_34 : vector<128x50x1xf32> to vector<128x50x128xf32>
    %mul3A_36 = arith.mulf %concatenate3A_18, %mul3A_35 : vector<128x50x128xf32>
    %max3A_37 = arith.maximumf %mul3A_31, %mul3A_36 : vector<128x50x128xf32>
    %max3A_38 = arith.maximumf %max3A, %max3A_37 : vector<128x50x128xf32>
    %broadcast_in_dim3A_39 = vector.shape_cast %get3A_9 : vector<128x50xf32> to vector<128x50x1xf32>
    %sub3A = arith.constant 1.000000e+00 : f32
    %sub3A_40 = vector.broadcast %sub3A : f32 to vector<128x50x1xf32>
    %sub3A_41 = arith.subf %sub3A_40, %broadcast_in_dim3A_39 : vector<128x50x1xf32>
    %mul3A_42 = vector.broadcast %sub3A_41 : vector<128x50x1xf32> to vector<128x50x128xf32>
    %mul3A_43 = arith.mulf %mul3A_42, %max3A_38 : vector<128x50x128xf32>
    %mul3A_44 = vector.broadcast %broadcast_in_dim3A_39 : vector<128x50x1xf32> to vector<128x50x128xf32>
    %mul3A_45 = arith.mulf %mul3A_44, %get3A_2 : vector<128x50x128xf32>
    %add3A = arith.addf %mul3A_43, %mul3A_45 : vector<128x50x128xf32>
    %reduce_sum3A = arith.constant dense<0.000000e+00> : vector<128x128xf32>
    %reduce_sum3A_46 = vector.multi_reduction <add>, %add3A, %reduce_sum3A [1] : vector<128x50x128xf32> to vector<128x128xf32>
    %swap3A = arith.constant 0 : index
    %swap3A_47 = arith.constant 0 : index
    %swap3A_48 = vector.load %arg4[%swap3A, %swap3A_47] : memref<128x128xf32, #tpu.memory_space<vmem>>, vector<128x128xf32>
    tpu.vector_store %arg4[%swap3A, %swap3A_47], %reduce_sum3A_46 {strides = array<i32>} : memref<128x128xf32, #tpu.memory_space<vmem>>, vector<128x128xf32>,
    return
  }
  func.func @transform_0(%arg0: i32) -> (i32, i32, i32) {
    %c0_i32 = arith.constant 0 : i32
    %c0_i32_0 = arith.constant 0 : i32
    %c0_i32_1 = arith.constant 0 : i32
    return %arg0, %c0_i32, %c0_i32_0 : i32, i32, i32
  }
  func.func @transform_1(%arg0: i32) -> (i32, i32, i32) {
    %c0_i32 = arith.constant 0 : i32
    %c0_i32_0 = arith.constant 0 : i32
    %c0_i32_1 = arith.constant 0 : i32
    return %c0_i32, %arg0, %c0_i32_0 : i32, i32, i32
  }
  func.func @transform_2(%arg0: i32) -> (i32, i32) {
    %c0_i32 = arith.constant 0 : i32
    %c0_i32_0 = arith.constant 0 : i32
    return %arg0, %c0_i32 : i32, i32
  }
  func.func @transform_3(%arg0: i32) -> (i32, i32) {
    %c0_i32 = arith.constant 0 : i32
    %c0_i32_0 = arith.constant 0 : i32
    return %arg0, %c0_i32 : i32, i32
  }
}

</mosaic_0001>

<sc_bundles>
// kernel: kernel.5.cloned.1.call-start
scs
__scs_entry_jumppad:
0x0: {  	(pc) =	sbr.rel $0x88, $3  }
0x1: {  	(tag) =	ssettag $0x0;
	lr =	simm.s32 $0x1  }
0x2: {  	[smem:$0x3F9D] =	sst lr;
	_ =	strace $0xD0000000  }
0x3: {  	_ = 	snop  }
0x4: {  	_ = 	snop  }
0x5: {  	_ = 	snop  }
0x6: {  	_ = 	snop  }
0x7: {  	_ = 	snop  }
__scs_overlays_trampoline_lowered:
0x8: {  	[smem:$0x3FAC] =	sst s0  }
0x9: {  	[smem:$0x3FAD] =	sst s1  }
0xa: {  	[smem:$0x3FAE] =	sst s2  }
0xb: {  	[smem:$0x3FAF] =	sst s3  }
0xc: {  	[smem:$0x3FB0] =	sst s4  }
0xd: {  	[smem:$0x3FB1] =	sst s5  }
0xe: {  	[smem:$0x3FB2] =	sst s6  }
0xf: {  	[smem:$0x3FB3] =	sst s7  }
0x10: {  	[smem:$0x3FB4] =	sst s8  }
0x11: {  	[smem:$0x3FB5] =	sst s9;
	s0 =	simm.s32 @!p0 $0x0  }
0x12: {  	s1 =	sld [smem:$0x3F9B];
	s0 =	simm.s32 @p0 $0x1  }
0x13: {  	[smem:$0x3FB6] =	sst s0;
	s0 =	simm.s32 @!p1 $0x0  }
0x14: {  	s2 =	sld [smem:$0x3F9A];
	s0 =	simm.s32 @p1 $0x1  }
0x15: {  	[smem:$0x3FB7] =	sst s0;
	s0 =	simm.s32 @!p2 $0x0  }
0x16: {  	s3 =	sld [smem:$0x3FDB];
	s0 =	simm.s32 @p2 $0x1  }
0x17: {  	s4 =	simm.s32 $0x1BF5;
	[smem:$0x3FB9] =	sst s0  }
0x18: {  	s0 =	sld [smem:$0x3F9C];
	_ =	swait.ge [sflag:s4], $0x0  }
0x19: {  	s7 =	sld [smem:$0x3F9D]  }
0x1a: {  	s8 =	sadd.s32 $0xFFFFE003, lr  }
0x1b: {  	s9 =	sadd.s32 $0xFFFFFEF7, lr;
	s5 =	simm.s32 $0xFFFFFFFF;
	p2 =	slt.u32 s8, $0xFFFFF086  }
0x1c: {  	p1 =	slt.u32 s9, $0xF7A;
	s5 =	simm.s32 @!p2 $0x0  }
0x1d: {  	s5 =	simm.s32 @p1 $0x1;
	p0 =	seq.s32 s7, s2  }
0x1e: {  	s7 =	smul.u32 @!p0 $0xF7A, s2;
	p2 =	seq.s32 @!p0 s5, $0x0  }
0x1f: {  	s9 =	smul.u32 $0xF7A, s1;
	s8 =	simm.s32 @!p0 $0x1BF5;
	p2 =	por !p2, p0  }
0x20: {  	[sflag:s8] =	ssyncset.s32 @!p0 $0xFFFFF086;
	s6 =	sadd.s32 @!p0 s3, s7;
	s7 =	simm.s32 @!p0 $0x108  }
0x21: {  	s3 =	sadd.s32 s3, s9;
	s6 =	sadd.s32 @!p0 $0x88, s6;
	s7 =	simm.s32 @p2 $0x1082  }
0x22: {  	[simem:s7], [sflag:s8] =	dma.local @!p0 [hbm:s6], $0xF7A  }
0x23: {  	s9 =	sor.u32 $0xD0000000, s2;
	s6 =	simm.s32 $0x108;
	_ =	swait.ge @!p0 [sflag:s8], $0x0  }
0x24: {  	s3 =	sadd.s32 $0x88, s3;
	s6 =	simm.s32 @!p1 $0x1082;
	[sflag:s4] =	ssyncset.s32 $0xFFFFF086  }
0x25: {  	[simem:s6], [sflag:s4] =	dma.local [hbm:s3], $0xF7A  }
0x26: {  	[smem:$0x3F9D] =	sst s1;
	(tag) =	ssettag s2;
	_ =	strace s9  }
0x27: {  	s1 =	sld [smem:$0x3FAD]  }
0x28: {  	s2 =	sld [smem:$0x3FAE]  }
0x29: {  	s4 =	sld [smem:$0x3FB0]  }
0x2a: {  	p0 =	seq.s32 s5, $0x0;
	s5 =	sld [smem:$0x3FB1]  }
0x2b: {  	s6 =	sld [smem:$0x3FB2]  }
0x2c: {  	s7 =	sld [smem:$0x3FB3]  }
0x2d: {  	s3 =	simm.s32 $0x108;
	s8 =	sld [smem:$0x3FB4]  }
0x2e: {  	s3 =	simm.s32 @!p0 $0x1082;
	s9 =	sld [smem:$0x3FB5]  }
0x2f: {  	lr =	sadd.s32 s0, s3;
	s0 =	sld [smem:$0x3FAC]  }
0x30: {  	s3 =	sld [smem:$0x3FAF]  }
0x31: {  	[smem:$0x3FB8] =	sst s10  }
0x32: {  	s10 =	sld [smem:$0x3FB6];
	_ =	sdelay $0x3  }
0x33: {  	p0 =	seq.s32 s10, $0x1;
	s10 =	sld [smem:$0x3FB8];
	_ =	sdelay $0x3  }
0x34: {  	[smem:$0x3FB8] =	sst s10  }
0x35: {  	s10 =	sld [smem:$0x3FB7];
	_ =	sdelay $0x3  }
0x36: {  	p1 =	seq.s32 s10, $0x1;
	s10 =	sld [smem:$0x3FB8];
	_ =	sdelay $0x3  }
0x37: {  	[smem:$0x3FB8] =	sst s10  }
0x38: {  	s10 =	sld [smem:$0x3FB9]  }
0x39: {  	_ = 	snop;
	(pc) =	sbr.ind lr, $3  }
0x3a: {  	_ = 	snop  }
0x3b: {  	_ = 	snop  }
0x3c: {  	p2 =	seq.s32 s10, $0x1;
	s10 =	sld [smem:$0x3FB8]  }
0x3d: {  	_ =	shalt  }
0x3e: {  	_ =	shalt  }
0x3f: {  	_ =	shalt  }
0x40: {  	_ =	shalt  }
0x41: {  	_ =	shalt  }
0x42: {  	_ =	shalt  }
0x43: {  	_ =	shalt  }
0x44: {  	_ =	shalt  }
0x45: {  	_ =	shalt  }
0x46: {  	_ =	shalt  }
0x47: {  	_ =	shalt  }
0x48: {  	_ =	shalt  }
0x49: {  	_ =	shalt  }
0x4a: {  	_ =	shalt  }
0x4b: {  	_ =	shalt  }
0x4c: {  	_ =	shalt  }
0x4d: {  	_ =	shalt  }
0x4e: {  	_ =	shalt  }
0x4f: {  	_ =	shalt  }
0x50: {  	_ =	shalt  }
0x51: {  	_ =	shalt  }
0x52: {  	_ =	shalt  }
0x53: {  	_ =	shalt  }
0x54: {  	_ =	shalt  }
0x55: {  	_ =	shalt  }
0x56: {  	_ =	shalt  }
0x57: {  	_ =	shalt  }
0x58: {  	_ =	shalt  }
0x59: {  	_ =	shalt  }
0x5a: {  	_ =	shalt  }
0x5b: {  	_ =	shalt  }
0x5c: {  	_ =	shalt  }
0x5d: {  	_ =	shalt  }
0x5e: {  	_ =	shalt  }
0x5f: {  	_ =	shalt  }
0x60: {  	_ =	shalt  }
0x61: {  	_ =	shalt  }
0x62: {  	_ =	shalt  }
0x63: {  	_ =	shalt  }
0x64: {  	_ =	shalt  }
0x65: {  	_ =	shalt  }
0x66: {  	_ =	shalt  }
0x67: {  	_ =	shalt  }
0x68: {  	_ =	shalt  }
0x69: {  	_ =	shalt  }
0x6a: {  	_ =	shalt  }
0x6b: {  	_ =	shalt  }
0x6c: {  	_ =	shalt  }
0x6d: {  	_ =	shalt  }
0x6e: {  	_ =	shalt  }
0x6f: {  	_ =	shalt  }
0x70: {  	_ =	shalt  }
0x71: {  	_ =	shalt  }
0x72: {  	_ =	shalt  }
0x73: {  	_ =	shalt  }
0x74: {  	_ =	shalt  }
0x75: {  	_ =	shalt  }
0x76: {  	_ =	shalt  }
0x77: {  	_ =	shalt  }
0x78: {  	_ =	shalt  }
0x79: {  	_ =	shalt  }
0x7a: {  	_ =	shalt  }
0x7b: {  	_ =	shalt  }
0x7c: {  	_ =	shalt  }
0x7d: {  	_ =	shalt  }
0x7e: {  	_ =	shalt  }
0x7f: {  	_ =	shalt  }
0x80: {  	_ =	shalt  }
0x81: {  	_ =	shalt  }
0x82: {  	_ =	shalt  }
0x83: {  	_ =	shalt  }
0x84: {  	_ =	shalt  }
0x85: {  	_ =	shalt  }
0x86: {  	_ =	shalt  }
0x87: {  	_ =	shalt  }
.Lfunc_end0:
.L_simem_size_0:
called_computation_lowered:
.L_overlay_start_0:
0x88: {  	s2 =	sld [smem:$0x3FD9]  }
0x89: {  	s3 =	sld [smem:$0x3FFE];
	_ =	sdelay $0x1  }
0x8a: {  	s1 =	srdreg.scid  }
0x8b: {  	s0 =	sand.u32 $0x1, s1  }
0x8c: {  	s17 =	sshll.u32 s0, $0xA;
	s2 =	sadd.s32 s3, s2  }
0x8d: {  	s2 =	sadd.s32 s2, s17  }
0x8e: {  	[smem:$0x3FC4] =	sst s2  }
0x8f: {  	_ = 	snop  }
0x90: {  	s18 =	sld [smem:$0x3FC8]  }
0x91: {  	s4 =	sld [smem:$0x3FC6]  }
0x92: {  	s5 =	sld [smem:$0x3FD0];
	(tm) =	ssettm $0x1  }
0x93: {  	s19 =	sld [smem:$0x3FFB];
	_ =	sdelay $0x3  }
0x94: {  	_ =	strace s19  }
0x95: {  	s2 =	sld [smem:$0x3FFC];
	_ =	sdelay $0x3  }
0x96: {  	_ =	strace s2  }
0x97: {  	s2 =	sld [smem:$0x3FFD];
	_ =	sdelay $0x3  }
0x98: {  	_ =	strace s2  }
0x99: {  	_ =	strace $0x8FFFFFFF  }
0x9a: {  	s20 =	sld [smem:$0x3FDB];
	_ =	sdelay $0x1  }
0x9b: {  	s6 =	simm.s32 $_scs_section_size  }
0x9c: {  	s7 =	simm.s32 $_size__tile_overlayer_lowered;
	s8 =	simm.s32 $_tile_overlayer_lowered  }
0x9d: {  	s9 =	simm.s32 $0x1BFF;
	s21 =	sshll.u32 s8, $0x1;
	s6 =	sadd.s32 s6, s20  }
0x9e: {  	s22 =	simm.s32 $0x0;
	s7 =	sshll.u32 s7, $0x1;
	s8 =	sadd.s32 s21, s6  }
0x9f: {  	[timem:s22], [sflag:s9] =	dma.local [hbm:s8], s7  }
0xa0: {  	_ =	swait.ge [sflag:s9], s7  }
0xa1: {  	s7 =	ssub.s32 $0x0, s7;
	[sflag:s9] =	ssyncset.done $0x0  }
0xa2: {  	[sflag:s9] =	ssyncadd.s32 s7;
	_ =	sdelay $0x1  }
0xa3: {  	s23 =	simm.s32 $0x1B8B  }
0xa4: {  	_ =	swait.ge [sflag:s23], $0x1  }
0xa5: {  	[sflag:s23] =	ssyncset.done $0x0  }
0xa6: {  	[sflag:s23] =	ssyncadd.s32 $0xFFFFFFFF  }
0xa7: {  	s7 =	sld [smem:$0x0]  }
0xa8: {  	s8 =	sand.u32 $0xFFFFFFFE, s1  }
0xa9: {  	p0 =	sne.s32 s1, s8  }
0xaa: {  	s8 =	sshll.u32 @p0 s8, $0xE  }
0xab: {  	s8 =	sadd.s32 @p0 $0x11B8D, s8;
	s9 =	sshll.u32 @p0 s7, $0x11  }
0xac: {  	s8 =	sor.u32 @p0 s9, s8  }
0xad: {  	[sflag:s8] =	ssyncadd.remote.s32 @p0 $0x1;
	_ =	sdelay $0x1  }
0xae: {  	s8 =	simm.s32 @p0 $0x1B8D  }
0xaf: {  	_ =	swait.eq @p0 [sflag:s8], $0x1  }
0xb0: {  	[sflag:s8] =	ssyncadd.s32 @p0 $0xFFFFFFFF  }
0xb1: {  	s9 =	sshll.u32 @!p0 s1, $0xE  }
0xb2: {  	s9 =	sor.u32 @!p0 $0x4000, s9;
	s8 =	simm.s32 @!p0 $0x1B8D  }
0xb3: {  	s7 =	sshll.u32 @!p0 s7, $0x11;
	s9 =	sadd.s32 @!p0 $0x11B8D, s9;
	_ =	swait.eq @!p0 [sflag:s8], $0x1  }
0xb4: {  	s7 =	sor.u32 @!p0 s7, s9;
	[sflag:s8] =	ssyncadd.s32 @!p0 $0xFFFFFFFF  }
0xb5: {  	s25 =	simm.s32 $0x1B8E;
	s24 =	sld [smem:$0x3FFE];
	[sflag:s7] =	ssyncadd.remote.s32 @!p0 $0x1  }
0xb6: {  	s26 =	simm.s32 $execute0_lowered;
	[smem:$0x3FD2] =	sst s25  }
0xb7: {  	s8 =	sshll.u32 s26, $0x1;
	_ =	strace $0x80000049;
	[dreg:$0x1] =	wrdreg $0xFFFFFFFF  }
0xb8: {  	s28 =	simm.s32 $_size_execute0_lowered;
	s6 =	sadd.s32 s6, s8;
	[dreg:$0x0] =	wrdreg $0x0  }
0xb9: {  	s8 =	sshll.u32 s28, $0x1;
	[dreg:$0x2] =	wrdreg s6  }
0xba: {  	[dreg:$0x3] =	wrdreg s8  }
0xbb: {  	[dreg:$0x4] =	wrdreg $0xC0  }
0xbc: {  	_ =	task [dreg:s22], $0x5FFFF  }
0xbd: {  	[dreg:$0x1] =	wrdreg $0xFFFFFFFF  }
0xbe: {  	[dreg:$0x0] =	wrdreg $0x60  }
0xbf: {  	[dreg:$0x2] =	wrdreg s18  }
0xc0: {  	[dreg:$0x3] =	wrdreg s4  }
0xc1: {  	[dreg:$0x4] =	wrdreg s5  }
0xc2: {  	[dreg:$0x5] =	wrdreg s24  }
0xc3: {  	[dreg:$0x6] =	wrdreg $0x9  }
0xc4: {  	_ =	task.clear_ibuf [dreg:s22], $0x7FFFF;
	_ =	strace $0x90000049  }
0xc5: {  	s29 =	simm.s32 $0x9;
	_ =	strace $0x8000004B  }
0xc6: {  	_ =	swait.ge [sflag:s29], $0x1  }
0xc7: {  	[sflag:s29] =	ssyncadd.s32 $0xFFFFFFFF  }
0xc8: {  	_ =	strace $0x9000004B  }
0xc9: {  	_ =	sfence  }
0xca: {  	s30 =	sld [smem:$0x0];
	_ =	sdelay $0x2  }
0xcb: {  	s31 =	sshll.u32 s1, $0xD;
	s1 =	sshrl.u32 s1, $0x2  }
0xcc: {  	s4 =	sand.u32 $0x4000, s31;
	s1 =	sadd.s32 s1, s30  }
0xcd: {  	s0 =	sor.u32 s4, s0;
	s1 =	sshll.u32 s1, $0x11  }
0xce: {  	s0 =	sor.u32 s1, s0  }
0xcf: {  	s0 =	sadd.s32 $0x8F2B, s0  }
0xd0: {  	[sflag:s0] =	ssyncadd.remote.s32 $0x1  }
0xd1: {  	_ =	sfence.sel $0xFFFF  }
0xd2: {  	[dreg:$0x0] =	wrdreg $0xFFFFFFFF;
	(pc) =	sbr.abs _section_cstart, $3  }
0xd3: {  	[dreg:$0x1] =	wrdreg $0xFFFFFFFF  }
0xd4: {  	_ =	task.clear_ibuf [dreg:s22], $0x2FFFF;
	_ =	strace $0x9FFFFFFF  }
0xd5: {  	(tm) =	ssettm $0x7FFFFFFF  }
tec
execute0_lowered:
.L_overlay_start_1:
0x0: {  	(tag) =	ssettag $0x1  }
0x1: {  	s3 =	rddreg [dreg:$0x0]  }
0x2: {  	s15 =	rddreg [dreg:$0x1]  }
0x3: {  	s0 =	rddreg [dreg:$0x2]  }
0x4: {  	s1 =	rddreg [dreg:$0x3];
	s4 =	srdreg.scid  }
0x5: {  	s5 =	stileid.u32;
	s2 =	simm.s32 $0x0;
	s13 =	simm.s32 $0x14780  }
0x6: {  	s30 =	simm.s32 $0x280;
	s12 =	simm.s32 $0x148C0;
	s28 =	simm.s32 $0x3C0  }
0x7: {  	p0 =	por $0x0, $0x0;
	s4 =	sand.u32 $0x1, s4;
	s5 =	sshll.u32 s5, $0x1  }
0x8: {  	s29 =	simm.s32 $0xA640;
	s31 =	simm.s32 $0x3;
	s5 =	sor.u32 s4, s5  }
0x9: {  	[smem:$0x7FF] =	sst s2;
	s4 =	ssub.s32 $0x2, s4;
	s6 =	smul.u32 $0x640, s5  }
0xa: {  	s7 =	sadd.s32 $0x308A00, s1;
	s8 =	sshrl.u32 s4, $0x1;
	s5 =	smul.u32 $0x6400, s5  }
0xb: {  	s1 =	sadd.s32 $0x3D0A00, s1;
	_ =	strace $0x8000004A;
	s4 =	ssub.s32 s4, s8  }
0xc: {  	s9 =	sshrl.u32 s6, $0x3;
	s14 =	sadd.s32 $0x140, s6;
	s17 =	sadd.s32 s7, s5  }
0xd: {  	s19 =	sadd.s32 $0x280, s6;
	s10 =	sadd.s32 $0x3C0, s6;
	s6 =	sadd.s32 $0x500, s6  }
0xe: {  	s26 =	smax.u32 s4, $0x1;
	s4 =	simm.s32 $0x6;
	s0 =	sadd.s32 s0, s9  }
0xf: {  	s18 =	sshll.u32 s14, $0x4;
	[dreg:$0x6] =	wrdreg s17;
	s21 =	sshll.u32 s19, $0x4  }
0x10: {  	s22 =	sshll.u32 s10, $0x4;
	s11 =	sshll.u32 s6, $0x4;
	s23 =	sshrl.u32 s14, $0x3  }
0x11: {  	s9 =	sadd.s32 s1, s9;
	s24 =	sshrl.u32 s10, $0x3;
	s25 =	sshrl.u32 s6, $0x3  }
0x12: {  	s14 =	simm.s32 $0x14640;
	s10 =	simm.s32 $0x14B40;
	p1 =	sne.s32 s26, $0x1  }
0x13: {  	[dreg:$0x5] =	wrdreg s0;
	s20 =	sadd.s32 s7, s18;
	s18 =	sadd.s32 s7, s21  }
0x14: {  	s17 =	sadd.s32 s7, s22;
	s16 =	sadd.s32 s7, s11;
	s8 =	sadd.s32 s1, s23  }
.Ltmp0:
0x15: {  	s0 =	sshrl.u32 s19, $0x3;
	s6 =	sadd.s32 s1, s24;
	(pc) =	sbr.rel @!p1 .LBB2_3-.Ltmp0, $4  }
0x16: {  	s5 =	sadd.s32 s1, s25;
	s21 =	simm.s32 $0x140;
	s11 =	simm.s32 $0x14A00  }
0x17: {  	s24 =	simm.s32 $0x500;
	s22 =	simm.s32 $0x640;
	s25 =	simm.s32 $0x4  }
0x18: {  	s23 =	simm.s32 $0x5;
	s19 =	simm.s32 $0x1;
	s7 =	sadd.s32 s1, s0  }
0x19: {  	s0 =	sadd.s32 $0xFFFFFFFF, s26;
	s26 =	simm.s32 $0x2;
	s1 =	rddreg [dreg:$0x5]  }
0x1a: {  	[tilespmem:s2], [sflag:$0x6] =	stream.linear.gather [hbm4b:s1+s2], $0x640, $0x38;
	[tilespmem:$0x14C80] =	vst v63  }
0x1b: {  	_ =	swait.ge [sflag:s4], $0x640  }
0x1c: {  	[sflag:s4] =	ssyncset.done $0x0  }
0x1d: {  	[sflag:s4] =	ssyncadd.s32 $0xFFFFF9C0  }
0x1e: {  	[tilespmem:s14], [sflag:$0x1] =	stream.indirect.gather [hbm4b:s15+s21], $0x1, s2, s21, $0xb8;
	[tilespmem:$0x14C80] =	vst v63  }
0x1f: {  	_ = 	snop  }
0x20: {  	[tilespmem:s13], [sflag:$0x1] =	stream.indirect.gather [hbm4b:s15+s21], $0x1, s21, s21, $0xb8;
	[tilespmem:$0x14C80] =	vst v63  }
0x21: {  	_ = 	snop  }
0x22: {  	[tilespmem:s12], [sflag:$0x1] =	stream.indirect.gather [hbm4b:s15+s21], $0x1, s30, s21, $0xb8;
	[tilespmem:$0x14C80] =	vst v63  }
0x23: {  	_ = 	snop  }
0x24: {  	[tilespmem:s11], [sflag:$0x1] =	stream.indirect.gather [hbm4b:s15+s21], $0x1, s28, s21, $0xb8;
	[tilespmem:$0x14C80] =	vst v63  }
0x25: {  	_ = 	snop  }
0x26: {  	[tilespmem:s10], [sflag:$0x1] =	stream.indirect.gather [hbm4b:s15+s21], $0x1, s24, s21, $0xb8;
	[tilespmem:$0x14C80] =	vst v63  }
0x27: {  	_ = 	snop  }
0x28: {  	[tilespmem:s22], [sflag:$0x2] =	stream.indirect.gather [hbm4b:s3+s21], $0x80, s2, s21, $0xb8;
	[tilespmem:$0x14C80] =	vst v63  }
0x29: {  	_ =	swait.ge [sflag:s26], $0xA000  }
0x2a: {  	[sflag:s26] =	ssyncset.done $0x0  }
0x2b: {  	[sflag:s26] =	ssyncadd.s32 $0xFFFF6000  }
0x2c: {  	[tilespmem:s29], [sflag:$0x3] =	stream.indirect.gather [hbm4b:s3+s21], $0x80, s21, s21, $0xb8;
	[tilespmem:$0x14C80] =	vst v63  }
0x2d: {  	s1 =	rddreg [dreg:$0x6]  }
0x2e: {  	[hbm4b:s1+s2] =	stream.linear.scatter [tilespmem:s22], [sflag:$0x4], $0xA000, $0x38;
	[tilespmem:$0x14C80] =	vst v63  }
0x2f: {  	_ =	swait.ge [sflag:s31], $0xA000  }
0x30: {  	[sflag:s31] =	ssyncset.done $0x0  }
0x31: {  	[sflag:s31] =	ssyncadd.s32 $0xFFFF6000  }
0x32: {  	_ =	swait.ge [sflag:s25], $0xA000  }
0x33: {  	[sflag:s25] =	ssyncset.done $0x0  }
0x34: {  	[sflag:s25] =	ssyncadd.s32 $0xFFFF6000  }
0x35: {  	[tilespmem:s22], [sflag:$0x2] =	stream.indirect.gather [hbm4b:s3+s21], $0x80, s30, s21, $0xb8;
	[tilespmem:$0x14C80] =	vst v63  }
0x36: {  	_ = 	snop  }
0x37: {  	[hbm4b:s20+s2] =	stream.linear.scatter [tilespmem:s29], [sflag:$0x5], $0xA000, $0x38;
	[tilespmem:$0x14C80] =	vst v63  }
0x38: {  	_ =	swait.ge [sflag:s26], $0xA000  }
0x39: {  	[sflag:s26] =	ssyncset.done $0x0  }
0x3a: {  	[sflag:s26] =	ssyncadd.s32 $0xFFFF6000  }
0x3b: {  	_ =	swait.ge [sflag:s23], $0xA000  }
0x3c: {  	[sflag:s23] =	ssyncset.done $0x0  }
0x3d: {  	[sflag:s23] =	ssyncadd.s32 $0xFFFF6000  }
0x3e: {  	[tilespmem:s29], [sflag:$0x3] =	stream.indirect.gather [hbm4b:s3+s21], $0x80, s28, s21, $0xb8;
	[tilespmem:$0x14C80] =	vst v63  }
0x3f: {  	_ = 	snop  }
0x40: {  	[hbm4b:s18+s2] =	stream.linear.scatter [tilespmem:s22], [sflag:$0x4], $0xA000, $0x38;
	[tilespmem:$0x14C80] =	vst v63  }
0x41: {  	_ =	swait.ge [sflag:s31], $0xA000  }
0x42: {  	[sflag:s31] =	ssyncset.done $0x0  }
0x43: {  	[sflag:s31] =	ssyncadd.s32 $0xFFFF6000  }
0x44: {  	_ =	swait.ge [sflag:s25], $0xA000  }
0x45: {  	[sflag:s25] =	ssyncset.done $0x0  }
0x46: {  	[sflag:s25] =	ssyncadd.s32 $0xFFFF6000  }
0x47: {  	[tilespmem:s22], [sflag:$0x2] =	stream.indirect.gather [hbm4b:s3+s21], $0x80, s24, s21, $0xb8;
	[tilespmem:$0x14C80] =	vst v63  }
0x48: {  	_ = 	snop  }
0x49: {  	[hbm4b:s17+s2] =	stream.linear.scatter [tilespmem:s29], [sflag:$0x5], $0xA000, $0x38;
	[tilespmem:$0x14C80] =	vst v63  }
0x4a: {  	_ =	swait.ge [sflag:s26], $0xA000  }
0x4b: {  	[sflag:s26] =	ssyncset.done $0x0  }
0x4c: {  	[sflag:s26] =	ssyncadd.s32 $0xFFFF6000  }
0x4d: {  	[hbm4b:s16+s2] =	stream.linear.scatter [tilespmem:s22], [sflag:$0x4], $0xA000, $0x38;
	[tilespmem:$0x14C80] =	vst v63  }
0x4e: {  	_ =	swait.ge [sflag:s25], $0xA000  }
0x4f: {  	[sflag:s25] =	ssyncset.done $0x0  }
0x50: {  	[sflag:s25] =	ssyncadd.s32 $0xFFFF6000  }
0x51: {  	_ =	swait.ge [sflag:s23], $0xA000  }
0x52: {  	[sflag:s23] =	ssyncset.done $0x0  }
0x53: {  	[sflag:s23] =	ssyncadd.s32 $0xFFFF6000  }
0x54: {  	_ =	swait.ge [sflag:s19], $0x140  }
0x55: {  	[sflag:s19] =	ssyncset.done $0x0  }
0x56: {  	[sflag:s19] =	ssyncadd.s32 $0xFFFFFEC0  }
0x57: {  	_ =	swait.ge [sflag:s19], $0x140  }
0x58: {  	[sflag:s19] =	ssyncset.done $0x0  }
0x59: {  	[sflag:s19] =	ssyncadd.s32 $0xFFFFFEC0  }
0x5a: {  	_ =	swait.ge [sflag:s19], $0x140  }
0x5b: {  	[sflag:s19] =	ssyncset.done $0x0  }
0x5c: {  	[sflag:s19] =	ssyncadd.s32 $0xFFFFFEC0  }
0x5d: {  	_ =	swait.ge [sflag:s19], $0x140  }
0x5e: {  	[sflag:s19] =	ssyncset.done $0x0  }
0x5f: {  	[sflag:s19] =	ssyncadd.s32 $0xFFFFFEC0  }
0x60: {  	_ =	swait.ge [sflag:s19], $0x140  }
0x61: {  	[sflag:s19] =	ssyncset.done $0x0  }
0x62: {  	[sflag:s19] =	ssyncadd.s32 $0xFFFFFEC0  }
0x63: {  	[hbm4b:s9+s2] =	stream.linear.scatter [tilespmem:s14], [sflag:$0x6], $0x140, $0x38;
	[tilespmem:$0x14C80] =	vst v63  }
0x64: {  	_ =	swait.ge [sflag:s4], $0x140  }
0x65: {  	[sflag:s4] =	ssyncset.done $0x0  }
0x66: {  	[sflag:s4] =	ssyncadd.s32 $0xFFFFFEC0  }
0x67: {  	[hbm4b:s8+s2] =	stream.linear.scatter [tilespmem:s13], [sflag:$0x6], $0x140, $0x38;
	[tilespmem:$0x14C80] =	vst v63  }
0x68: {  	_ =	swait.ge [sflag:s4], $0x140  }
0x69: {  	[sflag:s4] =	ssyncset.done $0x0  }
0x6a: {  	[sflag:s4] =	ssyncadd.s32 $0xFFFFFEC0  }
0x6b: {  	[hbm4b:s7+s2] =	stream.linear.scatter [tilespmem:s12], [sflag:$0x6], $0x140, $0x38;
	[tilespmem:$0x14C80] =	vst v63  }
0x6c: {  	_ =	swait.ge [sflag:s4], $0x140  }
0x6d: {  	[sflag:s4] =	ssyncset.done $0x0  }
0x6e: {  	[sflag:s4] =	ssyncadd.s32 $0xFFFFFEC0  }
0x6f: {  	[hbm4b:s6+s2] =	stream.linear.scatter [tilespmem:s11], [sflag:$0x6], $0x140, $0x38;
	[tilespmem:$0x14C80] =	vst v63  }
0x70: {  	p1 =	sne.s32 s0, $0x1;
	_ =	swait.ge [sflag:s4], $0x140  }
.Ltmp1:
0x71: {  	[sflag:s4] =	ssyncset.done $0x0;
	(pc) =	sbr.rel @!p1 .LBB2_3-.Ltmp1, $4  }
0x72: {  	[sflag:s4] =	ssyncadd.s32 $0xFFFFFEC0  }
0x73: {  	[hbm4b:s5+s2] =	stream.linear.scatter [tilespmem:s10], [sflag:$0x6], $0x140, $0x38;
	[tilespmem:$0x14C80] =	vst v63  }
0x74: {  	s0 =	sadd.s32 $0xFFFFFFFF, s0;
	_ =	swait.ge [sflag:s4], $0x140  }
0x75: {  	p0 =	por $0x1, $0x1;
	s1 =	rddreg [dreg:$0x5];
	[sflag:s4] =	ssyncset.done $0x0  }
.LBB2_2:
0x76: {  	[sflag:s4] =	ssyncadd.s32 $0xFFFFFEC0  }
0x77: {  	[tilespmem:s2], [sflag:$0x6] =	stream.linear.gather [hbm4b:s1+s2], $0x640, $0x38;
	[tilespmem:$0x14C80] =	vst v63  }
0x78: {  	_ =	swait.ge [sflag:s4], $0x640  }
0x79: {  	[sflag:s4] =	ssyncset.done $0x0  }
0x7a: {  	[sflag:s4] =	ssyncadd.s32 $0xFFFFF9C0  }
0x7b: {  	[tilespmem:s14], [sflag:$0x1] =	stream.indirect.gather [hbm4b:s15+s21], $0x1, s2, s21, $0xb8;
	[tilespmem:$0x14C80] =	vst v63  }
0x7c: {  	_ = 	snop  }
0x7d: {  	[tilespmem:s13], [sflag:$0x1] =	stream.indirect.gather [hbm4b:s15+s21], $0x1, s21, s21, $0xb8;
	[tilespmem:$0x14C80] =	vst v63  }
0x7e: {  	_ = 	snop  }
0x7f: {  	[tilespmem:s12], [sflag:$0x1] =	stream.indirect.gather [hbm4b:s15+s21], $0x1, s30, s21, $0xb8;
	[tilespmem:$0x14C80] =	vst v63  }
0x80: {  	_ = 	snop  }
0x81: {  	[tilespmem:s11], [sflag:$0x1] =	stream.indirect.gather [hbm4b:s15+s21], $0x1, s28, s21, $0xb8;
	[tilespmem:$0x14C80] =	vst v63  }
0x82: {  	_ = 	snop  }
0x83: {  	[tilespmem:s10], [sflag:$0x1] =	stream.indirect.gather [hbm4b:s15+s21], $0x1, s24, s21, $0xb8;
	[tilespmem:$0x14C80] =	vst v63  }
0x84: {  	_ = 	snop  }
0x85: {  	[tilespmem:s22], [sflag:$0x2] =	stream.indirect.gather [hbm4b:s3+s21], $0x80, s2, s21, $0xb8;
	[tilespmem:$0x14C80] =	vst v63  }
0x86: {  	_ =	swait.ge [sflag:s26], $0xA000  }
0x87: {  	[sflag:s26] =	ssyncset.done $0x0  }
0x88: {  	[sflag:s26] =	ssyncadd.s32 $0xFFFF6000  }
0x89: {  	[tilespmem:s29], [sflag:$0x3] =	stream.indirect.gather [hbm4b:s3+s21], $0x80, s21, s21, $0xb8;
	[tilespmem:$0x14C80] =	vst v63  }
0x8a: {  	s1 =	rddreg [dreg:$0x6]  }
0x8b: {  	[hbm4b:s1+s2] =	stream.linear.scatter [tilespmem:s22], [sflag:$0x4], $0xA000, $0x38;
	[tilespmem:$0x14C80] =	vst v63  }
0x8c: {  	_ =	swait.ge [sflag:s31], $0xA000  }
0x8d: {  	[sflag:s31] =	ssyncset.done $0x0  }
0x8e: {  	[sflag:s31] =	ssyncadd.s32 $0xFFFF6000  }
0x8f: {  	_ =	swait.ge [sflag:s25], $0xA000  }
0x90: {  	[sflag:s25] =	ssyncset.done $0x0  }
0x91: {  	[sflag:s25] =	ssyncadd.s32 $0xFFFF6000  }
0x92: {  	[tilespmem:s22], [sflag:$0x2] =	stream.indirect.gather [hbm4b:s3+s21], $0x80, s30, s21, $0xb8;
	[tilespmem:$0x14C80] =	vst v63  }
0x93: {  	_ = 	snop  }
0x94: {  	[hbm4b:s20+s2] =	stream.linear.scatter [tilespmem:s29], [sflag:$0x5], $0xA000, $0x38;
	[tilespmem:$0x14C80] =	vst v63  }
0x95: {  	_ =	swait.ge [sflag:s26], $0xA000  }
0x96: {  	[sflag:s26] =	ssyncset.done $0x0  }
0x97: {  	[sflag:s26] =	ssyncadd.s32 $0xFFFF6000  }
0x98: {  	_ =	swait.ge [sflag:s23], $0xA000  }
0x99: {  	[sflag:s23] =	ssyncset.done $0x0  }
0x9a: {  	[sflag:s23] =	ssyncadd.s32 $0xFFFF6000  }
0x9b: {  	[tilespmem:s29], [sflag:$0x3] =	stream.indirect.gather [hbm4b:s3+s21], $0x80, s28, s21, $0xb8;
	[tilespmem:$0x14C80] =	vst v63  }
0x9c: {  	_ = 	snop  }
0x9d: {  	[hbm4b:s18+s2] =	stream.linear.scatter [tilespmem:s22], [sflag:$0x4], $0xA000, $0x38;
	[tilespmem:$0x14C80] =	vst v63  }
0x9e: {  	_ =	swait.ge [sflag:s31], $0xA000  }
0x9f: {  	[sflag:s31] =	ssyncset.done $0x0  }
0xa0: {  	[sflag:s31] =	ssyncadd.s32 $0xFFFF6000  }
0xa1: {  	_ =	swait.ge [sflag:s25], $0xA000  }
0xa2: {  	[sflag:s25] =	ssyncset.done $0x0  }
0xa3: {  	[sflag:s25] =	ssyncadd.s32 $0xFFFF6000  }
0xa4: {  	[tilespmem:s22], [sflag:$0x2] =	stream.indirect.gather [hbm4b:s3+s21], $0x80, s24, s21, $0xb8;
	[tilespmem:$0x14C80] =	vst v63  }
0xa5: {  	_ = 	snop  }
0xa6: {  	[hbm4b:s17+s2] =	stream.linear.scatter [tilespmem:s29], [sflag:$0x5], $0xA000, $0x38;
	[tilespmem:$0x14C80] =	vst v63  }
0xa7: {  	_ =	swait.ge [sflag:s26], $0xA000  }
0xa8: {  	[sflag:s26] =	ssyncset.done $0x0  }
0xa9: {  	[sflag:s26] =	ssyncadd.s32 $0xFFFF6000  }
0xaa: {  	[hbm4b:s16+s2] =	stream.linear.scatter [tilespmem:s22], [sflag:$0x4], $0xA000, $0x38;
	[tilespmem:$0x14C80] =	vst v63  }
0xab: {  	_ =	swait.ge [sflag:s25], $0xA000  }
0xac: {  	[sflag:s25] =	ssyncset.done $0x0  }
0xad: {  	[sflag:s25] =	ssyncadd.s32 $0xFFFF6000  }
0xae: {  	_ =	swait.ge [sflag:s23], $0xA000  }
0xaf: {  	[sflag:s23] =	ssyncset.done $0x0  }
0xb0: {  	[sflag:s23] =	ssyncadd.s32 $0xFFFF6000  }
0xb1: {  	_ =	swait.ge [sflag:s19], $0x140  }
0xb2: {  	[sflag:s19] =	ssyncset.done $0x0  }
0xb3: {  	[sflag:s19] =	ssyncadd.s32 $0xFFFFFEC0  }
0xb4: {  	_ =	swait.ge [sflag:s19], $0x140  }
0xb5: {  	[sflag:s19] =	ssyncset.done $0x0  }
0xb6: {  	[sflag:s19] =	ssyncadd.s32 $0xFFFFFEC0  }
0xb7: {  	_ =	swait.ge [sflag:s19], $0x140  }
0xb8: {  	[sflag:s19] =	ssyncset.done $0x0  }
0xb9: {  	[sflag:s19] =	ssyncadd.s32 $0xFFFFFEC0  }
0xba: {  	_ =	swait.ge [sflag:s19], $0x140  }
0xbb: {  	[sflag:s19] =	ssyncset.done $0x0  }
0xbc: {  	[sflag:s19] =	ssyncadd.s32 $0xFFFFFEC0  }
0xbd: {  	_ =	swait.ge [sflag:s19], $0x140  }
0xbe: {  	[sflag:s19] =	ssyncset.done $0x0  }
0xbf: {  	[sflag:s19] =	ssyncadd.s32 $0xFFFFFEC0  }
0xc0: {  	[hbm4b:s9+s2] =	stream.linear.scatter [tilespmem:s14], [sflag:$0x6], $0x140, $0x38;
	[tilespmem:$0x14C80] =	vst v63  }
0xc1: {  	_ =	swait.ge [sflag:s4], $0x140  }
0xc2: {  	[sflag:s4] =	ssyncset.done $0x0  }
0xc3: {  	[sflag:s4] =	ssyncadd.s32 $0xFFFFFEC0  }
0xc4: {  	[hbm4b:s8+s2] =	stream.linear.scatter [tilespmem:s13], [sflag:$0x6], $0x140, $0x38;
	[tilespmem:$0x14C80] =	vst v63  }
0xc5: {  	_ =	swait.ge [sflag:s4], $0x140  }
0xc6: {  	[sflag:s4] =	ssyncset.done $0x0  }
0xc7: {  	[sflag:s4] =	ssyncadd.s32 $0xFFFFFEC0  }
0xc8: {  	[hbm4b:s7+s2] =	stream.linear.scatter [tilespmem:s12], [sflag:$0x6], $0x140, $0x38;
	[tilespmem:$0x14C80] =	vst v63  }
0xc9: {  	_ =	swait.ge [sflag:s4], $0x140  }
0xca: {  	[sflag:s4] =	ssyncset.done $0x0  }
0xcb: {  	[sflag:s4] =	ssyncadd.s32 $0xFFFFFEC0  }
0xcc: {  	[hbm4b:s6+s2] =	stream.linear.scatter [tilespmem:s11], [sflag:$0x6], $0x140, $0x38;
	[tilespmem:$0x14C80] =	vst v63  }
0xcd: {  	p1 =	sne.s32 s0, $0x1;
	_ =	swait.ge [sflag:s4], $0x140  }
.Ltmp2:
0xce: {  	[sflag:s4] =	ssyncset.done $0x0;
	(pc) =	sbr.rel @p1 .LBB2_2-.Ltmp2, $4  }
0xcf: {  	[sflag:s4] =	ssyncadd.s32 $0xFFFFFEC0  }
0xd0: {  	[hbm4b:s5+s2] =	stream.linear.scatter [tilespmem:s10], [sflag:$0x6], $0x140, $0x38;
	[tilespmem:$0x14C80] =	vst v63  }
0xd1: {  	_ =	swait.ge [sflag:s4], $0x140  }
0xd2: {  	s0 =	sadd.s32 $0xFFFFFFFF, s0;
	s1 =	rddreg [dreg:$0x5];
	[sflag:s4] =	ssyncset.done $0x0  }
.LBB2_3:
0xd3: {  	[sflag:s4] =	ssyncadd.s32 @p0 $0xFFFFFEC0  }
0xd4: {  	[tilespmem:s2], [sflag:$0x6] =	stream.linear.gather [hbm4b:s1+s2], $0x640, $0x38;
	[tilespmem:$0x14C80] =	vst v63  }
0xd5: {  	_ =	swait.ge [sflag:s4], $0x640  }
0xd6: {  	[sflag:s4] =	ssyncset.done $0x0  }
0xd7: {  	[sflag:s4] =	ssyncadd.s32 $0xFFFFF9C0  }
0xd8: {  	[tilespmem:s14], [sflag:$0x1] =	stream.indirect.gather [hbm4b:s15+s21], $0x1, s2, s21, $0xb8;
	[tilespmem:$0x14C80] =	vst v63  }
0xd9: {  	_ = 	snop  }
0xda: {  	[tilespmem:s13], [sflag:$0x1] =	stream.indirect.gather [hbm4b:s15+s21], $0x1, s21, s21, $0xb8;
	[tilespmem:$0x14C80] =	vst v63  }
0xdb: {  	_ = 	snop  }
0xdc: {  	[tilespmem:s12], [sflag:$0x1] =	stream.indirect.gather [hbm4b:s15+s21], $0x1, s30, s21, $0xb8;
	[tilespmem:$0x14C80] =	vst v63  }
0xdd: {  	_ = 	snop  }
0xde: {  	[tilespmem:s11], [sflag:$0x1] =	stream.indirect.gather [hbm4b:s15+s21], $0x1, s28, s21, $0xb8;
	[tilespmem:$0x14C80] =	vst v63  }
0xdf: {  	_ = 	snop  }
0xe0: {  	[tilespmem:s10], [sflag:$0x1] =	stream.indirect.gather [hbm4b:s15+s21], $0x1, s24, s21, $0xb8;
	[tilespmem:$0x14C80] =	vst v63  }
0xe1: {  	_ = 	snop  }
0xe2: {  	[tilespmem:s22], [sflag:$0x2] =	stream.indirect.gather [hbm4b:s3+s21], $0x80, s2, s21, $0xb8;
	[tilespmem:$0x14C80] =	vst v63  }
0xe3: {  	_ =	swait.ge [sflag:s26], $0xA000  }
0xe4: {  	[sflag:s26] =	ssyncset.done $0x0  }
0xe5: {  	[sflag:s26] =	ssyncadd.s32 $0xFFFF6000  }
0xe6: {  	[tilespmem:s29], [sflag:$0x3] =	stream.indirect.gather [hbm4b:s3+s21], $0x80, s21, s21, $0xb8;
	[tilespmem:$0x14C80] =	vst v63  }
0xe7: {  	s0 =	rddreg [dreg:$0x6]  }
0xe8: {  	[hbm4b:s0+s2] =	stream.linear.scatter [tilespmem:s22], [sflag:$0x4], $0xA000, $0x38;
	[tilespmem:$0x14C80] =	vst v63  }
0xe9: {  	_ =	swait.ge [sflag:s31], $0xA000  }
0xea: {  	[sflag:s31] =	ssyncset.done $0x0  }
0xeb: {  	[sflag:s31] =	ssyncadd.s32 $0xFFFF6000  }
0xec: {  	_ =	swait.ge [sflag:s25], $0xA000  }
0xed: {  	[sflag:s25] =	ssyncset.done $0x0  }
0xee: {  	[sflag:s25] =	ssyncadd.s32 $0xFFFF6000  }
0xef: {  	[tilespmem:s22], [sflag:$0x2] =	stream.indirect.gather [hbm4b:s3+s21], $0x80, s30, s21, $0xb8;
	[tilespmem:$0x14C80] =	vst v63  }
0xf0: {  	_ = 	snop  }
0xf1: {  	[hbm4b:s20+s2] =	stream.linear.scatter [tilespmem:s29], [sflag:$0x5], $0xA000, $0x38;
	[tilespmem:$0x14C80] =	vst v63  }
0xf2: {  	_ =	swait.ge [sflag:s26], $0xA000  }
0xf3: {  	[sflag:s26] =	ssyncset.done $0x0  }
0xf4: {  	[sflag:s26] =	ssyncadd.s32 $0xFFFF6000  }
0xf5: {  	_ =	swait.ge [sflag:s23], $0xA000  }
0xf6: {  	[sflag:s23] =	ssyncset.done $0x0  }
0xf7: {  	[sflag:s23] =	ssyncadd.s32 $0xFFFF6000  }
0xf8: {  	[tilespmem:s29], [sflag:$0x3] =	stream.indirect.gather [hbm4b:s3+s21], $0x80, s28, s21, $0xb8;
	[tilespmem:$0x14C80] =	vst v63  }
0xf9: {  	_ = 	snop  }
0xfa: {  	[hbm4b:s18+s2] =	stream.linear.scatter [tilespmem:s22], [sflag:$0x4], $0xA000, $0x38;
	[tilespmem:$0x14C80] =	vst v63  }
0xfb: {  	_ =	swait.ge [sflag:s31], $0xA000  }
0xfc: {  	[sflag:s31] =	ssyncset.done $0x0  }
0xfd: {  	[sflag:s31] =	ssyncadd.s32 $0xFFFF6000  }
0xfe: {  	_ =	swait.ge [sflag:s25], $0xA000  }
0xff: {  	[sflag:s25] =	ssyncset.done $0x0  }
0x100: {  	[sflag:s25] =	ssyncadd.s32 $0xFFFF6000  }
0x101: {  	[tilespmem:s22], [sflag:$0x2] =	stream.indirect.gather [hbm4b:s3+s21], $0x80, s24, s21, $0xb8;
	[tilespmem:$0x14C80] =	vst v63  }
0x102: {  	_ = 	snop  }
0x103: {  	[hbm4b:s17+s2] =	stream.linear.scatter [tilespmem:s29], [sflag:$0x5], $0xA000, $0x38;
	[tilespmem:$0x14C80] =	vst v63  }
0x104: {  	_ =	swait.ge [sflag:s26], $0xA000  }
0x105: {  	[sflag:s26] =	ssyncset.done $0x0  }
0x106: {  	[sflag:s26] =	ssyncadd.s32 $0xFFFF6000  }
0x107: {  	[hbm4b:s16+s2] =	stream.linear.scatter [tilespmem:s22], [sflag:$0x4], $0xA000, $0x38;
	[tilespmem:$0x14C80] =	vst v63  }
0x108: {  	_ =	swait.ge [sflag:s25], $0xA000  }
0x109: {  	[sflag:s25] =	ssyncset.done $0x0  }
0x10a: {  	[sflag:s25] =	ssyncadd.s32 $0xFFFF6000  }
0x10b: {  	_ =	swait.ge [sflag:s23], $0xA000  }
0x10c: {  	[sflag:s23] =	ssyncset.done $0x0  }
0x10d: {  	[sflag:s23] =	ssyncadd.s32 $0xFFFF6000  }
0x10e: {  	_ =	swait.ge [sflag:s19], $0x140  }
0x10f: {  	[sflag:s19] =	ssyncset.done $0x0  }
0x110: {  	[sflag:s19] =	ssyncadd.s32 $0xFFFFFEC0  }
0x111: {  	_ =	swait.ge [sflag:s19], $0x140  }
0x112: {  	[sflag:s19] =	ssyncset.done $0x0  }
0x113: {  	[sflag:s19] =	ssyncadd.s32 $0xFFFFFEC0  }
0x114: {  	_ =	swait.ge [sflag:s19], $0x140  }
0x115: {  	[sflag:s19] =	ssyncset.done $0x0  }
0x116: {  	[sflag:s19] =	ssyncadd.s32 $0xFFFFFEC0  }
0x117: {  	_ =	swait.ge [sflag:s19], $0x140  }
0x118: {  	[sflag:s19] =	ssyncset.done $0x0  }
0x119: {  	[sflag:s19] =	ssyncadd.s32 $0xFFFFFEC0  }
0x11a: {  	_ =	swait.ge [sflag:s19], $0x140  }
0x11b: {  	[sflag:s19] =	ssyncset.done $0x0  }
0x11c: {  	[sflag:s19] =	ssyncadd.s32 $0xFFFFFEC0  }
0x11d: {  	[hbm4b:s9+s2] =	stream.linear.scatter [tilespmem:s14], [sflag:$0x6], $0x140, $0x38;
	[tilespmem:$0x14C80] =	vst v63  }
0x11e: {  	_ =	swait.ge [sflag:s4], $0x140  }
0x11f: {  	[sflag:s4] =	ssyncset.done $0x0  }
0x120: {  	[sflag:s4] =	ssyncadd.s32 $0xFFFFFEC0  }
0x121: {  	[hbm4b:s8+s2] =	stream.linear.scatter [tilespmem:s13], [sflag:$0x6], $0x140, $0x38;
	[tilespmem:$0x14C80] =	vst v63  }
0x122: {  	_ =	swait.ge [sflag:s4], $0x140  }
0x123: {  	[sflag:s4] =	ssyncset.done $0x0  }
0x124: {  	[sflag:s4] =	ssyncadd.s32 $0xFFFFFEC0  }
0x125: {  	[hbm4b:s7+s2] =	stream.linear.scatter [tilespmem:s12], [sflag:$0x6], $0x140, $0x38;
	[tilespmem:$0x14C80] =	vst v63  }
0x126: {  	_ =	swait.ge [sflag:s4], $0x140  }
0x127: {  	[sflag:s4] =	ssyncset.done $0x0  }
0x128: {  	[sflag:s4] =	ssyncadd.s32 $0xFFFFFEC0  }
0x129: {  	[hbm4b:s6+s2] =	stream.linear.scatter [tilespmem:s11], [sflag:$0x6], $0x140, $0x38;
	[tilespmem:$0x14C80] =	vst v63  }
0x12a: {  	_ =	swait.ge [sflag:s4], $0x140  }
0x12b: {  	[sflag:s4] =	ssyncset.done $0x0  }
0x12c: {  	[sflag:s4] =	ssyncadd.s32 $0xFFFFFEC0  }
0x12d: {  	[hbm4b:s5+s2] =	stream.linear.scatter [tilespmem:s10], [sflag:$0x6], $0x140, $0x38;
	[tilespmem:$0x14C80] =	vst v63  }
0x12e: {  	_ =	swait.ge [sflag:s4], $0x140  }
0x12f: {  	[sflag:s4] =	ssyncset.done $0x0  }
0x130: {  	[sflag:s4] =	ssyncadd.s32 $0xFFFFFEC0  }
0x131: {  	_ =	sfence.sel $0x180000  }
0x132: {  	[bflag:$0x0] =	sbarrier.arrive $0xFFFF  }
0x133: {  	_ =	strace $0x9000004A  }
0x134: {  	s31 =	stileid.u32;
	[bflag:$0x2] =	sbarrier.arrive $0xFFFF  }
0x135: {  	p0 =	sne.s32 s31, $0x0;
	s0 =	rddreg [dreg:$0x4]  }
0x136: {  	s0 =	sadd.s32 @!p0 $0x100000, s0  }
0x137: {  	[sflag:s0] =	ssyncadd.tile.s32 @!p0 $0x1;
	_ =	shalt  }
.Lfunc_end2:
_tile_overlayer_lowered:
.L_overlay_start_2:
0x138: {  	(tag) =	ssettag $0x2  }
0x139: {  	s0 =	rddreg [dreg:$0x0];
	s2 =	stileid.u32  }
0x13a: {  	s1 =	rddreg [dreg:$0x1];
	p0 =	sne.s32 s2, $0x0  }
0x13b: {  	s3 =	rddreg [dreg:$0x2];
	[bflag:$0x3] =	sbarrier.arrive $0xFFFF;
	s2 =	simm.s32 @!p0 $0x1C06  }
0x13c: {  	[timem:s3], [sflag:s2] =	dma.local @!p0 [hbm:s0], s1  }
0x13d: {  	s0 =	simm.s32 @!p0 $0x6  }
0x13e: {  	_ =	swait.ge @!p0 [sflag:s0], s1  }
0x13f: {  	s1 =	ssub.s32 @!p0 $0x0, s1;
	[sflag:s0] =	ssyncset.done @!p0 $0x0  }
0x140: {  	[sflag:s0] =	ssyncadd.s32 @!p0 s1  }
0x141: {  	[bflag:$0x3] =	sbarrier.arrive $0xFFFF  }
0x142: {  	_ =	shalt  }

// kernel: kernel.8.cloned.1.call-start
scs
__scs_entry_jumppad:
0x0: {  	(pc) =	sbr.rel $0x88, $3  }
0x1: {  	(tag) =	ssettag $0x0;
	lr =	simm.s32 $0x1  }
0x2: {  	[smem:$0x3F9D] =	sst lr;
	_ =	strace $0xD0000000  }
0x3: {  	_ = 	snop  }
0x4: {  	_ = 	snop  }
0x5: {  	_ = 	snop  }
0x6: {  	_ = 	snop  }
0x7: {  	_ = 	snop  }
__scs_overlays_trampoline_lowered:
0x8: {  	[smem:$0x3FAC] =	sst s0  }
0x9: {  	[smem:$0x3FAD] =	sst s1  }
0xa: {  	[smem:$0x3FAE] =	sst s2  }
0xb: {  	[smem:$0x3FAF] =	sst s3  }
0xc: {  	[smem:$0x3FB0] =	sst s4  }
0xd: {  	[smem:$0x3FB1] =	sst s5  }
0xe: {  	[smem:$0x3FB2] =	sst s6  }
0xf: {  	[smem:$0x3FB3] =	sst s7  }
0x10: {  	[smem:$0x3FB4] =	sst s8  }
0x11: {  	[smem:$0x3FB5] =	sst s9;
	s0 =	simm.s32 @!p0 $0x0  }
0x12: {  	s1 =	sld [smem:$0x3F9B];
	s0 =	simm.s32 @p0 $0x1  }
0x13: {  	[smem:$0x3FB6] =	sst s0;
	s0 =	simm.s32 @!p1 $0x0  }
0x14: {  	s2 =	sld [smem:$0x3F9A];
	s0 =	simm.s32 @p1 $0x1  }
0x15: {  	[smem:$0x3FB7] =	sst s0;
	s0 =	simm.s32 @!p2 $0x0  }
0x16: {  	s3 =	sld [smem:$0x3FDB];
	s0 =	simm.s32 @p2 $0x1  }
0x17: {  	s4 =	simm.s32 $0x1BF5;
	[smem:$0x3FB9] =	sst s0  }
0x18: {  	s0 =	sld [smem:$0x3F9C];
	_ =	swait.ge [sflag:s4], $0x0  }
0x19: {  	s7 =	sld [smem:$0x3F9D]  }
0x1a: {  	s8 =	sadd.s32 $0xFFFFE003, lr  }
0x1b: {  	s9 =	sadd.s32 $0xFFFFFEF7, lr;
	s5 =	simm.s32 $0xFFFFFFFF;
	p2 =	slt.u32 s8, $0xFFFFF086  }
0x1c: {  	p1 =	slt.u32 s9, $0xF7A;
	s5 =	simm.s32 @!p2 $0x0  }
0x1d: {  	s5 =	simm.s32 @p1 $0x1;
	p0 =	seq.s32 s7, s2  }
0x1e: {  	s7 =	smul.u32 @!p0 $0xF7A, s2;
	p2 =	seq.s32 @!p0 s5, $0x0  }
0x1f: {  	s9 =	smul.u32 $0xF7A, s1;
	s8 =	simm.s32 @!p0 $0x1BF5;
	p2 =	por !p2, p0  }
0x20: {  	[sflag:s8] =	ssyncset.s32 @!p0 $0xFFFFF086;
	s6 =	sadd.s32 @!p0 s3, s7;
	s7 =	simm.s32 @!p0 $0x108  }
0x21: {  	s3 =	sadd.s32 s3, s9;
	s6 =	sadd.s32 @!p0 $0x88, s6;
	s7 =	simm.s32 @p2 $0x1082  }
0x22: {  	[simem:s7], [sflag:s8] =	dma.local @!p0 [hbm:s6], $0xF7A  }
0x23: {  	s9 =	sor.u32 $0xD0000000, s2;
	s6 =	simm.s32 $0x108;
	_ =	swait.ge @!p0 [sflag:s8], $0x0  }
0x24: {  	s3 =	sadd.s32 $0x88, s3;
	s6 =	simm.s32 @!p1 $0x1082;
	[sflag:s4] =	ssyncset.s32 $0xFFFFF086  }
0x25: {  	[simem:s6], [sflag:s4] =	dma.local [hbm:s3], $0xF7A  }
0x26: {  	[smem:$0x3F9D] =	sst s1;
	(tag) =	ssettag s2;
	_ =	strace s9  }
0x27: {  	s1 =	sld [smem:$0x3FAD]  }
0x28: {  	s2 =	sld [smem:$0x3FAE]  }
0x29: {  	s4 =	sld [smem:$0x3FB0]  }
0x2a: {  	p0 =	seq.s32 s5, $0x0;
	s5 =	sld [smem:$0x3FB1]  }
0x2b: {  	s6 =	sld [smem:$0x3FB2]  }
0x2c: {  	s7 =	sld [smem:$0x3FB3]  }
0x2d: {  	s3 =	simm.s32 $0x108;
	s8 =	sld [smem:$0x3FB4]  }
0x2e: {  	s3 =	simm.s32 @!p0 $0x1082;
	s9 =	sld [smem:$0x3FB5]  }
0x2f: {  	lr =	sadd.s32 s0, s3;
	s0 =	sld [smem:$0x3FAC]  }
0x30: {  	s3 =	sld [smem:$0x3FAF]  }
0x31: {  	[smem:$0x3FB8] =	sst s10  }
0x32: {  	s10 =	sld [smem:$0x3FB6];
	_ =	sdelay $0x3  }
0x33: {  	p0 =	seq.s32 s10, $0x1;
	s10 =	sld [smem:$0x3FB8];
	_ =	sdelay $0x3  }
0x34: {  	[smem:$0x3FB8] =	sst s10  }
0x35: {  	s10 =	sld [smem:$0x3FB7];
	_ =	sdelay $0x3  }
0x36: {  	p1 =	seq.s32 s10, $0x1;
	s10 =	sld [smem:$0x3FB8];
	_ =	sdelay $0x3  }
0x37: {  	[smem:$0x3FB8] =	sst s10  }
0x38: {  	s10 =	sld [smem:$0x3FB9]  }
0x39: {  	_ = 	snop;
	(pc) =	sbr.ind lr, $3  }
0x3a: {  	_ = 	snop  }
0x3b: {  	_ = 	snop  }
0x3c: {  	p2 =	seq.s32 s10, $0x1;
	s10 =	sld [smem:$0x3FB8]  }
0x3d: {  	_ =	shalt  }
0x3e: {  	_ =	shalt  }
0x3f: {  	_ =	shalt  }
0x40: {  	_ =	shalt  }
0x41: {  	_ =	shalt  }
0x42: {  	_ =	shalt  }
0x43: {  	_ =	shalt  }
0x44: {  	_ =	shalt  }
0x45: {  	_ =	shalt  }
0x46: {  	_ =	shalt  }
0x47: {  	_ =	shalt  }
0x48: {  	_ =	shalt  }
0x49: {  	_ =	shalt  }
0x4a: {  	_ =	shalt  }
0x4b: {  	_ =	shalt  }
0x4c: {  	_ =	shalt  }
0x4d: {  	_ =	shalt  }
0x4e: {  	_ =	shalt  }
0x4f: {  	_ =	shalt  }
0x50: {  	_ =	shalt  }
0x51: {  	_ =	shalt  }
0x52: {  	_ =	shalt  }
0x53: {  	_ =	shalt  }
0x54: {  	_ =	shalt  }
0x55: {  	_ =	shalt  }
0x56: {  	_ =	shalt  }
0x57: {  	_ =	shalt  }
0x58: {  	_ =	shalt  }
0x59: {  	_ =	shalt  }
0x5a: {  	_ =	shalt  }
0x5b: {  	_ =	shalt  }
0x5c: {  	_ =	shalt  }
0x5d: {  	_ =	shalt  }
0x5e: {  	_ =	shalt  }
0x5f: {  	_ =	shalt  }
0x60: {  	_ =	shalt  }
0x61: {  	_ =	shalt  }
0x62: {  	_ =	shalt  }
0x63: {  	_ =	shalt  }
0x64: {  	_ =	shalt  }
0x65: {  	_ =	shalt  }
0x66: {  	_ =	shalt  }
0x67: {  	_ =	shalt  }
0x68: {  	_ =	shalt  }
0x69: {  	_ =	shalt  }
0x6a: {  	_ =	shalt  }
0x6b: {  	_ =	shalt  }
0x6c: {  	_ =	shalt  }
0x6d: {  	_ =	shalt  }
0x6e: {  	_ =	shalt  }
0x6f: {  	_ =	shalt  }
0x70: {  	_ =	shalt  }
0x71: {  	_ =	shalt  }
0x72: {  	_ =	shalt  }
0x73: {  	_ =	shalt  }
0x74: {  	_ =	shalt  }
0x75: {  	_ =	shalt  }
0x76: {  	_ =	shalt  }
0x77: {  	_ =	shalt  }
0x78: {  	_ =	shalt  }
0x79: {  	_ =	shalt  }
0x7a: {  	_ =	shalt  }
0x7b: {  	_ =	shalt  }
0x7c: {  	_ =	shalt  }
0x7d: {  	_ =	shalt  }
0x7e: {  	_ =	shalt  }
0x7f: {  	_ =	shalt  }
0x80: {  	_ =	shalt  }
0x81: {  	_ =	shalt  }
0x82: {  	_ =	shalt  }
0x83: {  	_ =	shalt  }
0x84: {  	_ =	shalt  }
0x85: {  	_ =	shalt  }
0x86: {  	_ =	shalt  }
0x87: {  	_ =	shalt  }
.Lfunc_end0:
.L_simem_size_0:
called_computation.1_lowered:
.L_overlay_start_0:
0x88: {  	s2 =	sld [smem:$0x3FD9]  }
0x89: {  	s3 =	sld [smem:$0x3FFE];
	_ =	sdelay $0x1  }
0x8a: {  	s1 =	srdreg.scid  }
0x8b: {  	s0 =	sand.u32 $0x1, s1  }
0x8c: {  	s16 =	sshll.u32 s0, $0xA;
	s2 =	sadd.s32 s3, s2  }
0x8d: {  	s2 =	sadd.s32 s2, s16  }
0x8e: {  	[smem:$0x3FC4] =	sst s2  }
0x8f: {  	_ = 	snop  }
0x90: {  	(tm) =	ssettm $0x1  }
0x91: {  	s17 =	sld [smem:$0x3FFB];
	_ =	sdelay $0x3  }
0x92: {  	_ =	strace s17  }
0x93: {  	s2 =	sld [smem:$0x3FFC];
	_ =	sdelay $0x3  }
0x94: {  	_ =	strace s2  }
0x95: {  	s2 =	sld [smem:$0x3FFD];
	_ =	sdelay $0x3  }
0x96: {  	_ =	strace s2  }
0x97: {  	_ =	strace $0x8FFFFFFF  }
0x98: {  	s18 =	sld [smem:$0x3FDB];
	_ =	sdelay $0x1  }
0x99: {  	s19 =	simm.s32 $_scs_section_size  }
0x9a: {  	s4 =	simm.s32 $_size__tile_overlayer_lowered;
	s5 =	simm.s32 $_tile_overlayer_lowered  }
0x9b: {  	s22 =	simm.s32 $0x1BFF;
	s21 =	sshll.u32 s5, $0x1;
	s2 =	sadd.s32 s19, s18  }
0x9c: {  	s6 =	simm.s32 $0x0;
	s20 =	sshll.u32 s4, $0x1;
	s4 =	sadd.s32 s21, s2  }
0x9d: {  	[timem:s6], [sflag:s22] =	dma.local [hbm:s4], s20  }
0x9e: {  	_ =	swait.ge [sflag:s22], s20  }
0x9f: {  	s3 =	ssub.s32 $0x0, s20;
	[sflag:s22] =	ssyncset.done $0x0  }
0xa0: {  	[sflag:s22] =	ssyncadd.s32 s3;
	_ =	sdelay $0x1  }
0xa1: {  	s23 =	simm.s32 $0x1B8B  }
0xa2: {  	_ =	swait.ge [sflag:s23], $0x1  }
0xa3: {  	[sflag:s23] =	ssyncset.done $0x0  }
0xa4: {  	s25 =	simm.s32 $0x1B8E;
	s24 =	sld [smem:$0x3FFE];
	[sflag:s23] =	ssyncadd.s32 $0xFFFFFFFF  }
0xa5: {  	s26 =	simm.s32 $execute0_lowered;
	[smem:$0x3FD2] =	sst s25  }
0xa6: {  	s4 =	sshll.u32 s26, $0x1;
	_ =	strace $0x80000046;
	[dreg:$0x1] =	wrdreg $0xFFFFFFFF  }
0xa7: {  	s28 =	simm.s32 $_size_execute0_lowered;
	s2 =	sadd.s32 s2, s4;
	[dreg:$0x0] =	wrdreg $0x0  }
0xa8: {  	s4 =	sshll.u32 s28, $0x1;
	[dreg:$0x2] =	wrdreg s2  }
0xa9: {  	[dreg:$0x3] =	wrdreg s4  }
0xaa: {  	[dreg:$0x4] =	wrdreg $0xC0  }
0xab: {  	_ =	task [dreg:s6], $0x5FFFF  }
0xac: {  	[dreg:$0x1] =	wrdreg $0xFFFFFFFF  }
0xad: {  	[dreg:$0x0] =	wrdreg $0x60  }
0xae: {  	[dreg:$0x2] =	wrdreg s24  }
0xaf: {  	[dreg:$0x3] =	wrdreg $0xA  }
0xb0: {  	_ =	task.clear_ibuf [dreg:s6], $0x4FFFF;
	_ =	strace $0x90000046  }
0xb1: {  	s29 =	simm.s32 $0xA;
	_ =	strace $0x80000048  }
0xb2: {  	_ =	swait.ge [sflag:s29], $0x1  }
0xb3: {  	[sflag:s29] =	ssyncadd.s32 $0xFFFFFFFF  }
0xb4: {  	_ =	strace $0x90000048  }
0xb5: {  	_ =	sfence  }
0xb6: {  	s30 =	sld [smem:$0x0];
	_ =	sdelay $0x2  }
0xb7: {  	s31 =	sshll.u32 s1, $0xD;
	s1 =	sshrl.u32 s1, $0x2  }
0xb8: {  	s3 =	sand.u32 $0x4000, s31;
	s1 =	sadd.s32 s1, s30  }
0xb9: {  	s0 =	sor.u32 s3, s0;
	s1 =	sshll.u32 s1, $0x11  }
0xba: {  	s0 =	sor.u32 s1, s0  }
0xbb: {  	s0 =	sadd.s32 $0x8F2B, s0  }
0xbc: {  	[sflag:s0] =	ssyncadd.remote.s32 $0x1  }
0xbd: {  	_ =	sfence.sel $0xFFFF  }
0xbe: {  	[dreg:$0x0] =	wrdreg $0xFFFFFFFF;
	(pc) =	sbr.abs _section_cstart, $3  }
0xbf: {  	[dreg:$0x1] =	wrdreg $0xFFFFFFFF  }
0xc0: {  	_ =	task.clear_ibuf [dreg:s6], $0x2FFFF;
	_ =	strace $0x9FFFFFFF  }
0xc1: {  	(tm) =	ssettm $0x7FFFFFFF  }
tec
execute0_lowered:
.L_overlay_start_1:
0x0: {  	(tag) =	ssettag $0x1  }
0x1: {  	s1 =	srdreg.scid;
	s0 =	stileid.u32  }
0x2: {  	s16 =	sand.u32 $0x1, s1;
	s31 =	sshll.u32 s0, $0x1  }
0x3: {  	s1 =	sor.u32 s16, s31  }
0x4: {  	s3 =	smul.u32 $0x1900, s1  }
0x5: {  	s5 =	rddreg [dreg:$0x0];
	s2 =	simm.s32 $0x0  }
0x6: {  	[smem:$0x7FF] =	sst s2;
	s3 =	sshrl.u32 s3, $0x3  }
0x7: {  	s1 =	rddreg [dreg:$0x1];
	s17 =	sadd.s32 s3, s5  }
0x8: {  	_ =	strace $0x80000047;
	s3 =	simm.s32 $0x2;
	s4 =	sadd.s32 $0x1200, s17  }
0x9: {  	[tilespmem:s2], [sflag:$0x2] =	stream.linear.gather [hbm4b:s4+s2], $0x1900, $0x38;
	[tilespmem:$0x3200] =	vst v63  }
0xa: {  	_ =	swait.ge [sflag:s3], $0x1900  }
0xb: {  	s6 =	simm.s32 $0x640;
	[sflag:s3] =	ssyncset.done $0x0  }
0xc: {  	s7 =	simm.s32 $0x1900;
	s5 =	sadd.s32 $0x7600, s5;
	[sflag:s3] =	ssyncadd.s32 $0xFFFFE700  }
0xd: {  	[tilespmem:s7], [sflag:$0x1] =	stream.indirect.gather [hbm4b:s5+s6], $0x1, s2, s6, $0xb8;
	[tilespmem:$0x3200] =	vst v63  }
0xe: {  	s8 =	simm.s32 $0x1F40  }
0xf: {  	[tilespmem:s8], [sflag:$0x1] =	stream.indirect.gather [hbm4b:s5+s6], $0x1, s6, s6, $0xb8;
	[tilespmem:$0x3200] =	vst v63  }
0x10: {  	s9 =	simm.s32 $0xC80;
	s10 =	simm.s32 $0x2580  }
0x11: {  	[tilespmem:s10], [sflag:$0x1] =	stream.indirect.gather [hbm4b:s5+s6], $0x1, s9, s6, $0xb8;
	[tilespmem:$0x3200] =	vst v63  }
0x12: {  	s11 =	simm.s32 $0x12C0;
	s12 =	simm.s32 $0x2BC0;
	s13 =	simm.s32 $0x1  }
0x13: {  	[tilespmem:s12], [sflag:$0x1] =	stream.indirect.gather [hbm4b:s5+s6], $0x1, s11, s6, $0xb8;
	[tilespmem:$0x3200] =	vst v63  }
0x14: {  	_ =	swait.ge [sflag:s13], $0x640  }
0x15: {  	[sflag:s13] =	ssyncset.done $0x0  }
0x16: {  	[sflag:s13] =	ssyncadd.s32 $0xFFFFF9C0  }
0x17: {  	_ =	swait.ge [sflag:s13], $0x640  }
0x18: {  	[sflag:s13] =	ssyncset.done $0x0  }
0x19: {  	[sflag:s13] =	ssyncadd.s32 $0xFFFFF9C0  }
0x1a: {  	_ =	swait.ge [sflag:s13], $0x640  }
0x1b: {  	[sflag:s13] =	ssyncset.done $0x0  }
0x1c: {  	[sflag:s13] =	ssyncadd.s32 $0xFFFFF9C0  }
0x1d: {  	_ =	swait.ge [sflag:s13], $0x640  }
0x1e: {  	[sflag:s13] =	ssyncset.done $0x0  }
0x1f: {  	s14 =	sadd.s32 $0x302600, s17;
	[sflag:s13] =	ssyncadd.s32 $0xFFFFF9C0  }
0x20: {  	[hbm4b:s14+s2] =	stream.linear.scatter [tilespmem:s7], [sflag:$0x2], $0x640, $0x38;
	[tilespmem:$0x3200] =	vst v63  }
0x21: {  	_ =	swait.ge [sflag:s3], $0x640  }
0x22: {  	[sflag:s3] =	ssyncset.done $0x0  }
0x23: {  	s18 =	ssub.s32 $0x2, s16;
	s15 =	sadd.s32 $0x3026C8, s17;
	[sflag:s3] =	ssyncadd.s32 $0xFFFFF9C0  }
0x24: {  	[hbm4b:s15+s2] =	stream.linear.scatter [tilespmem:s8], [sflag:$0x2], $0x640, $0x38;
	[tilespmem:$0x3200] =	vst v63  }
0x25: {  	s19 =	sshrl.u32 s18, $0x1;
	_ =	swait.ge [sflag:s3], $0x640  }
0x26: {  	s18 =	ssub.s32 s18, s19;
	[sflag:s3] =	ssyncset.done $0x0  }
0x27: {  	s18 =	smax.u32 s18, $0x1;
	s16 =	sadd.s32 $0x302790, s17;
	[sflag:s3] =	ssyncadd.s32 $0xFFFFF9C0  }
0x28: {  	[hbm4b:s16+s2] =	stream.linear.scatter [tilespmem:s10], [sflag:$0x2], $0x640, $0x38;
	[tilespmem:$0x3200] =	vst v63  }
0x29: {  	p0 =	sne.s32 s18, $0x1;
	_ =	swait.ge [sflag:s3], $0x640  }
.Ltmp0:
0x2a: {  	[sflag:s3] =	ssyncset.done $0x0;
	(pc) =	sbr.rel @!p0 .LBB2_2-.Ltmp0, $4  }
0x2b: {  	s17 =	sadd.s32 $0x302858, s17;
	[sflag:s3] =	ssyncadd.s32 $0xFFFFF9C0  }
0x2c: {  	[hbm4b:s17+s2] =	stream.linear.scatter [tilespmem:s12], [sflag:$0x2], $0x640, $0x38;
	[tilespmem:$0x3200] =	vst v63  }
0x2d: {  	_ =	swait.ge [sflag:s3], $0x640  }
0x2e: {  	s18 =	sadd.s32 $0xFFFFFFFF, s18;
	[sflag:s3] =	ssyncset.done $0x0  }
.LBB2_1:
0x2f: {  	p0 =	sne.s32 s18, $0x1;
	s18 =	sadd.s32 $0xFFFFFFFF, s18;
	[sflag:s3] =	ssyncadd.s32 $0xFFFFF9C0  }
0x30: {  	[tilespmem:s2], [sflag:$0x2] =	stream.linear.gather [hbm4b:s4+s2], $0x1900, $0x38;
	[tilespmem:$0x3200] =	vst v63  }
0x31: {  	_ =	swait.ge [sflag:s3], $0x1900  }
0x32: {  	[sflag:s3] =	ssyncset.done $0x0  }
0x33: {  	[sflag:s3] =	ssyncadd.s32 $0xFFFFE700  }
0x34: {  	[tilespmem:s7], [sflag:$0x1] =	stream.indirect.gather [hbm4b:s5+s6], $0x1, s2, s6, $0xb8;
	[tilespmem:$0x3200] =	vst v63  }
0x35: {  	_ = 	snop  }
0x36: {  	[tilespmem:s8], [sflag:$0x1] =	stream.indirect.gather [hbm4b:s5+s6], $0x1, s6, s6, $0xb8;
	[tilespmem:$0x3200] =	vst v63  }
0x37: {  	_ = 	snop  }
0x38: {  	[tilespmem:s10], [sflag:$0x1] =	stream.indirect.gather [hbm4b:s5+s6], $0x1, s9, s6, $0xb8;
	[tilespmem:$0x3200] =	vst v63  }
0x39: {  	_ = 	snop  }
0x3a: {  	[tilespmem:s12], [sflag:$0x1] =	stream.indirect.gather [hbm4b:s5+s6], $0x1, s11, s6, $0xb8;
	[tilespmem:$0x3200] =	vst v63  }
0x3b: {  	_ =	swait.ge [sflag:s13], $0x640  }
0x3c: {  	[sflag:s13] =	ssyncset.done $0x0  }
0x3d: {  	[sflag:s13] =	ssyncadd.s32 $0xFFFFF9C0  }
0x3e: {  	_ =	swait.ge [sflag:s13], $0x640  }
0x3f: {  	[sflag:s13] =	ssyncset.done $0x0  }
0x40: {  	[sflag:s13] =	ssyncadd.s32 $0xFFFFF9C0  }
0x41: {  	_ =	swait.ge [sflag:s13], $0x640  }
0x42: {  	[sflag:s13] =	ssyncset.done $0x0  }
0x43: {  	[sflag:s13] =	ssyncadd.s32 $0xFFFFF9C0  }
0x44: {  	_ =	swait.ge [sflag:s13], $0x640  }
0x45: {  	[sflag:s13] =	ssyncset.done $0x0  }
0x46: {  	[sflag:s13] =	ssyncadd.s32 $0xFFFFF9C0  }
0x47: {  	[hbm4b:s14+s2] =	stream.linear.scatter [tilespmem:s7], [sflag:$0x2], $0x640, $0x38;
	[tilespmem:$0x3200] =	vst v63  }
0x48: {  	_ =	swait.ge [sflag:s3], $0x640  }
0x49: {  	[sflag:s3] =	ssyncset.done $0x0  }
0x4a: {  	[sflag:s3] =	ssyncadd.s32 $0xFFFFF9C0  }
0x4b: {  	[hbm4b:s15+s2] =	stream.linear.scatter [tilespmem:s8], [sflag:$0x2], $0x640, $0x38;
	[tilespmem:$0x3200] =	vst v63  }
0x4c: {  	_ =	swait.ge [sflag:s3], $0x640  }
0x4d: {  	[sflag:s3] =	ssyncset.done $0x0  }
0x4e: {  	[sflag:s3] =	ssyncadd.s32 $0xFFFFF9C0  }
0x4f: {  	[hbm4b:s16+s2] =	stream.linear.scatter [tilespmem:s10], [sflag:$0x2], $0x640, $0x38;
	[tilespmem:$0x3200] =	vst v63  }
0x50: {  	_ =	swait.ge [sflag:s3], $0x640  }
.Ltmp1:
0x51: {  	[sflag:s3] =	ssyncset.done $0x0;
	(pc) =	sbr.rel @p0 .LBB2_1-.Ltmp1, $4  }
0x52: {  	[sflag:s3] =	ssyncadd.s32 $0xFFFFF9C0  }
0x53: {  	[hbm4b:s17+s2] =	stream.linear.scatter [tilespmem:s12], [sflag:$0x2], $0x640, $0x38;
	[tilespmem:$0x3200] =	vst v63  }
0x54: {  	_ =	swait.ge [sflag:s3], $0x640  }
0x55: {  	[sflag:s3] =	ssyncset.done $0x0  }
.LBB2_2:
0x56: {  	[sflag:s3] =	ssyncadd.s32 $0xFFFFF9C0  }
0x57: {  	_ =	sfence.sel $0x180000  }
0x58: {  	[bflag:$0x0] =	sbarrier.arrive $0xFFFF  }
0x59: {  	p0 =	sne.s32 s0, $0x0;
	_ =	strace $0x90000047  }
0x5a: {  	s0 =	sadd.s32 @!p0 $0x100000, s1;
	[bflag:$0x2] =	sbarrier.arrive $0xFFFF  }
0x5b: {  	[sflag:s0] =	ssyncadd.tile.s32 @!p0 $0x1;
	_ =	shalt  }
.Lfunc_end2:
_tile_overlayer_lowered:
.L_overlay_start_2:
0x5c: {  	(tag) =	ssettag $0x2  }
0x5d: {  	s0 =	rddreg [dreg:$0x0];
	s2 =	stileid.u32  }
0x5e: {  	s1 =	rddreg [dreg:$0x1];
	p0 =	sne.s32 s2, $0x0  }
0x5f: {  	s3 =	rddreg [dreg:$0x2];
	[bflag:$0x3] =	sbarrier.arrive $0xFFFF;
	s2 =	simm.s32 @!p0 $0x1C02  }
0x60: {  	[timem:s3], [sflag:s2] =	dma.local @!p0 [hbm:s0], s1  }
0x61: {  	s0 =	simm.s32 @!p0 $0x2  }
0x62: {  	_ =	swait.ge @!p0 [sflag:s0], s1  }
0x63: {  	s1 =	ssub.s32 @!p0 $0x0, s1;
	[sflag:s0] =	ssyncset.done @!p0 $0x0  }
0x64: {  	[sflag:s0] =	ssyncadd.s32 @!p0 s1  }
0x65: {  	[bflag:$0x3] =	sbarrier.arrive $0xFFFF  }
0x66: {  	_ =	shalt  }

</sc_bundles>
